<compile_context>
chip_gen: v7x
topology: tpu7x:2x2x1
jax: 0.10.2.dev20260603
libtpu: 0.0.44.dev20260713+nightly
codegen_flags: <defaults>
</compile_context>

<pallas_src>
import functools

import jax
import jax.numpy as jnp
from jax import lax
from jax.experimental import pallas as pl
from jax.experimental.pallas import tpu as pltpu
from jax.experimental.pallas import tpu_sc as plsc

VOCAB = 1000000
DIM = 64
N = 100000

NC = 2
NS = 16
NW = NC * NS
B_PER_W = 3128
C = 400
OFFS = (0, 400, 800, 1200, 1600, 2000, 2400, B_PER_W - C)

_mesh = plsc.VectorSubcoreMesh(core_axis_name="c", subcore_axis_name="s")


@functools.partial(
    pl.kernel,
    mesh=_mesh,
    out_type=jax.ShapeDtypeStruct((N, DIM), jnp.float32),
    compiler_params=pltpu.CompilerParams(use_tc_tiling_on_sc=False),
    scratch_types=[
        pltpu.VMEM((B_PER_W,), jnp.int32),
        pltpu.VMEM((2, C, 2 * DIM), jnp.float32),
        pltpu.SemaphoreType.DMA,
        pltpu.SemaphoreType.DMA,
        pltpu.SemaphoreType.DMA,
        pltpu.SemaphoreType.DMA,
    ],
)
def _gather_kernel(idx_hbm, tablep_hbm, out_hbm, idx_v, rows_v,
                   gsem0, gsem1, ssem0, ssem1):
    wid = lax.axis_index("s") * NC + lax.axis_index("c")
    base = jnp.minimum(wid * B_PER_W, N - B_PER_W)
    gsems = (gsem0, gsem1)
    ssems = (ssem0, ssem1)

    pltpu.sync_copy(idx_hbm.at[pl.ds(base, B_PER_W)], idx_v)

    def gather(cj, b):
        return pltpu.async_copy(
            tablep_hbm.at[idx_v.at[pl.ds(OFFS[cj], C)]], rows_v.at[b],
            gsems[b])

    def store(cj, b):
        return pltpu.async_copy(
            rows_v.at[b, :, :DIM], out_hbm.at[pl.ds(base + OFFS[cj], C)],
            ssems[b])

    gathers = [gather(0, 0), gather(1, 1)]
    stores = [None, None]
    for cj in range(len(OFFS)):
        b = cj % 2
        gathers[b].wait()
        stores[b] = store(cj, b)
        if cj + 2 < len(OFFS):
            stores[b].wait()
            gathers[b] = gather(cj + 2, b)
    stores[0].wait()
    stores[1].wait()


def kernel(token_id, table):
    tablep = jnp.pad(table, ((0, 0), (0, DIM)))
    return _gather_kernel(token_id.astype(jnp.int32), tablep)

# --- scband reference (transcript-rebuilt; emitter-appended) ---
"""Pipeline reference for scband-full-token-embedding-2370821947989 (READ-ONLY COPY).

The authoritative reference and input builder live on the scoring server;
editing this copy changes nothing except your own understanding.
"""

import jax, jax.numpy as jnp
import numpy as np

VOCAB = 1000000
DIM = 64
N = 100000
PAD = 0

def setup_inputs(seed: int = 0) -> dict:
    key = jax.random.key(seed)
    k1, k2 = jax.random.split(key)
    token_id = jax.random.randint(k1, (N,), 0, VOCAB, dtype=jnp.int64 if jax.config.jax_enable_x64 else jnp.int32).astype(jnp.int32)
    table = jax.random.normal(k2, (VOCAB, DIM), dtype=jnp.float32)
    # nn.Embedding with padding_idx zeros that row at init
    table = table.at[PAD].set(0.0)
    return {"token_id": token_id, "table": table}

def reference(token_id, table):
    # graph.ndata['token_embeds'] = self.token_embedding(graph.ndata['token_id'])
    token_embeds = jnp.take(table, token_id, axis=0)
    return token_embeds

if __name__ == "__main__":
    import jax
    _d = setup_inputs()
    print(jax.jit(kernel)(*tuple(_d.values())))

</pallas_src>

<mosaic_0001>
#map = affine_map<(d0, d1) -> (0)>
#map1 = affine_map<(d0, d1) -> (0, 0)>
module attributes {stable_mosaic.version = 14 : i64} {
  func.func @_gather_kernel(%arg0: i32, %arg1: i32, %arg2: memref<100000xi32, #tpu.memory_space<hbm>>, %arg3: memref<1000000x128xf32, #tpu.memory_space<hbm>>, %arg4: memref<100000x64xf32, #tpu.memory_space<hbm>>, %arg5: memref<3128xi32, #tpu.memory_space<vmem>>, %arg6: memref<2x400x128xf32, #tpu.memory_space<vmem>>, %arg7: memref<!tpu.dma_semaphore, #tpu.memory_space<semaphore_mem>>, %arg8: memref<!tpu.dma_semaphore, #tpu.memory_space<semaphore_mem>>, %arg9: memref<!tpu.dma_semaphore, #tpu.memory_space<semaphore_mem>>, %arg10: memref<!tpu.dma_semaphore, #tpu.memory_space<semaphore_mem>>) attributes {dimension_semantics = [#tpu.dimension_semantics<core_parallel>, #tpu.dimension_semantics<subcore_parallel>], iteration_bounds = array<i64: 2, 16>, scalar_prefetch = 0 : i64, scratch_operands = 6 : i64, tpu.core_type = #tpu.core_type<sc_vector_subcore>, window_params = [{transform_indices = #map}, {transform_indices = #map1}, {transform_indices = #map1}]} {
    %mul3A = arith.constant 2 : i32
    %mul3A_0 = arith.muli %arg1, %mul3A : i32
    %add3A = arith.addi %mul3A_0, %arg0 : i32
    %mul3A_1 = arith.constant 3128 : i32
    %mul3A_2 = arith.muli %add3A, %mul3A_1 : i32
    %min3A = arith.constant 96872 : i32
    %min3A_3 = arith.minsi %mul3A_2, %min3A : i32
    "tpu.region"() ({
      %run_scoped3A = tpu.sem_alloc : memref<!tpu.dma_semaphore, #tpu.memory_space<semaphore_mem>>
      %dma_start3A_386 = tpu.memref_slice %arg2[%min3A_3] : memref<100000xi32, #tpu.memory_space<hbm>> -> memref<3128xi32, #tpu.memory_space<hbm>>
      %dma_start3A_387 = tpu.memref_slice %arg2[%min3A_3] : memref<100000xi32, #tpu.memory_space<hbm>> -> memref<3128xi32, #tpu.memory_space<hbm>>
      tpu.enqueue_dma source(%dma_start3A_387 : memref<3128xi32, #tpu.memory_space<hbm>>) target(%arg5 : memref<3128xi32, #tpu.memory_space<vmem>>) target_semaphore(%run_scoped3A : memref<!tpu.dma_semaphore, #tpu.memory_space<semaphore_mem>>)
      %dma_wait3A_388 = tpu.memref_slice %arg2[%min3A_3] : memref<100000xi32, #tpu.memory_space<hbm>> -> memref<3128xi32, #tpu.memory_space<hbm>>
      %dma_wait3A_389 = tpu.memref_slice %arg2[%min3A_3] : memref<100000xi32, #tpu.memory_space<hbm>> -> memref<3128xi32, #tpu.memory_space<hbm>>
      tpu.wait_dma2 semaphore(%run_scoped3A : memref<!tpu.dma_semaphore, #tpu.memory_space<semaphore_mem>>) src(%dma_wait3A_389 : memref<3128xi32, #tpu.memory_space<hbm>>) dst(%arg5 : memref<3128xi32, #tpu.memory_space<vmem>>)
      tpu.yield
    }) : () -> ()
    %dma_start3A = arith.constant 0 : i32
    %dma_start3A_4 = arith.constant 0 : i32
    %dma_start3A_5 = arith.constant 0 : i32
    %dma_start3A_6 = tpu.memref_slice %arg6[%dma_start3A, %dma_start3A_4, %dma_start3A_5] : memref<2x400x128xf32, #tpu.memory_space<vmem>> -> memref<1x400x128xf32, #tpu.memory_space<vmem>>
    %dma_start3A_7 = tpu.memref_squeeze %dma_start3A_6 : memref<1x400x128xf32, #tpu.memory_space<vmem>> -> memref<400x128xf32, #tpu.memory_space<vmem>>
    %dma_start3A_8 = arith.constant 0 : i32
    %dma_start3A_9 = tpu.memref_slice %arg5[%dma_start3A_8] : memref<3128xi32, #tpu.memory_space<vmem>> -> memref<400xi32, #tpu.memory_space<vmem>>
    %dma_start3A_10 = arith.constant 0 : i32
    %dma_start3A_11 = arith.constant 0 : i32
    %dma_start3A_12 = tpu.memref_slice %arg3[%dma_start3A_10, %dma_start3A_11] : memref<1000000x128xf32, #tpu.memory_space<hbm>> -> memref<1000000x128xf32, #tpu.memory_space<hbm>>
    tpu.enqueue_indirect_dma source(%dma_start3A_12 : memref<1000000x128xf32, #tpu.memory_space<hbm>>) target(%dma_start3A_7 : memref<400x128xf32, #tpu.memory_space<vmem>>) offsets(%dma_start3A_9 : memref<400xi32, #tpu.memory_space<vmem>>) semaphore(%arg7 : memref<!tpu.dma_semaphore, #tpu.memory_space<semaphore_mem>>)
    %dma_start3A_13 = arith.constant 1 : i32
    %dma_start3A_14 = arith.constant 0 : i32
    %dma_start3A_15 = arith.constant 0 : i32
    %dma_start3A_16 = tpu.memref_slice %arg6[%dma_start3A_13, %dma_start3A_14, %dma_start3A_15] : memref<2x400x128xf32, #tpu.memory_space<vmem>> -> memref<1x400x128xf32, #tpu.memory_space<vmem>>
    %dma_start3A_17 = tpu.memref_squeeze %dma_start3A_16 : memref<1x400x128xf32, #tpu.memory_space<vmem>> -> memref<400x128xf32, #tpu.memory_space<vmem>>
    %dma_start3A_18 = arith.constant 400 : i32
    %dma_start3A_19 = tpu.memref_slice %arg5[%dma_start3A_18] : memref<3128xi32, #tpu.memory_space<vmem>> -> memref<400xi32, #tpu.memory_space<vmem>>
    %dma_start3A_20 = arith.constant 0 : i32
    %dma_start3A_21 = arith.constant 0 : i32
    %dma_start3A_22 = tpu.memref_slice %arg3[%dma_start3A_20, %dma_start3A_21] : memref<1000000x128xf32, #tpu.memory_space<hbm>> -> memref<1000000x128xf32, #tpu.memory_space<hbm>>
    tpu.enqueue_indirect_dma source(%dma_start3A_22 : memref<1000000x128xf32, #tpu.memory_space<hbm>>) target(%dma_start3A_17 : memref<400x128xf32, #tpu.memory_space<vmem>>) offsets(%dma_start3A_19 : memref<400xi32, #tpu.memory_space<vmem>>) semaphore(%arg8 : memref<!tpu.dma_semaphore, #tpu.memory_space<semaphore_mem>>)
    %dma_wait3A = arith.constant 0 : i32
    %dma_wait3A_23 = arith.constant 0 : i32
    %dma_wait3A_24 = arith.constant 0 : i32
    %dma_wait3A_25 = tpu.memref_slice %arg6[%dma_wait3A, %dma_wait3A_23, %dma_wait3A_24] : memref<2x400x128xf32, #tpu.memory_space<vmem>> -> memref<1x400x128xf32, #tpu.memory_space<vmem>>
    %dma_wait3A_26 = tpu.memref_squeeze %dma_wait3A_25 : memref<1x400x128xf32, #tpu.memory_space<vmem>> -> memref<400x128xf32, #tpu.memory_space<vmem>>
    %dma_wait3A_27 = arith.constant 0 : i32
    %dma_wait3A_28 = tpu.memref_slice %arg5[%dma_wait3A_27] : memref<3128xi32, #tpu.memory_space<vmem>> -> memref<400xi32, #tpu.memory_space<vmem>>
    %dma_wait3A_29 = arith.constant 0 : i32
    %dma_wait3A_30 = arith.constant 0 : i32
    %dma_wait3A_31 = tpu.memref_slice %arg3[%dma_wait3A_29, %dma_wait3A_30] : memref<1000000x128xf32, #tpu.memory_space<hbm>> -> memref<1000000x128xf32, #tpu.memory_space<hbm>>
    tpu.wait_indirect_dma semaphore(%arg7 : memref<!tpu.dma_semaphore, #tpu.memory_space<semaphore_mem>>) src(%dma_wait3A_31 : memref<1000000x128xf32, #tpu.memory_space<hbm>>) dst(%dma_wait3A_26 : memref<400x128xf32, #tpu.memory_space<vmem>>)
    %add3A_32 = arith.constant 0 : i32
    %add3A_33 = arith.addi %min3A_3, %add3A_32 : i32
    %dma_start3A_34 = arith.constant 0 : i32
    %dma_start3A_35 = arith.constant 0 : i32
    %dma_start3A_36 = arith.constant 0 : i32
    %dma_start3A_37 = tpu.memref_slice %arg6[%dma_start3A_34, %dma_start3A_35, %dma_start3A_36] : memref<2x400x128xf32, #tpu.memory_space<vmem>> -> memref<1x400x64xf32, #tpu.memory_space<vmem>>
    %dma_start3A_38 = tpu.memref_squeeze %dma_start3A_37 : memref<1x400x64xf32, #tpu.memory_space<vmem>> -> memref<400x64xf32, #tpu.memory_space<vmem>>
    %dma_start3A_39 = arith.constant 0 : i32
    %dma_start3A_40 = tpu.memref_slice %arg4[%add3A_33, %dma_start3A_39] : memref<100000x64xf32, #tpu.memory_space<hbm>> -> memref<400x64xf32, #tpu.memory_space<hbm>>
    %dma_start3A_41 = arith.constant 0 : i32
    %dma_start3A_42 = tpu.memref_slice %arg4[%add3A_33, %dma_start3A_41] : memref<100000x64xf32, #tpu.memory_space<hbm>> -> memref<400x64xf32, #tpu.memory_space<hbm>>
    %dma_start3A_43 = arith.constant 0 : i32
    %dma_start3A_44 = arith.constant 0 : i32
    %dma_start3A_45 = tpu.memref_slice %arg6[%dma_start3A_34, %dma_start3A_43, %dma_start3A_44] : memref<2x400x128xf32, #tpu.memory_space<vmem>> -> memref<1x400x64xf32, #tpu.memory_space<vmem>>
    %dma_start3A_46 = tpu.memref_squeeze %dma_start3A_45 : memref<1x400x64xf32, #tpu.memory_space<vmem>> -> memref<400x64xf32, #tpu.memory_space<vmem>>
    tpu.enqueue_dma source(%dma_start3A_46 : memref<400x64xf32, #tpu.memory_space<vmem>>) target(%dma_start3A_42 : memref<400x64xf32, #tpu.memory_space<hbm>>) target_semaphore(%arg9 : memref<!tpu.dma_semaphore, #tpu.memory_space<semaphore_mem>>)
    %dma_wait3A_47 = arith.constant 0 : i32
    %dma_wait3A_48 = arith.constant 0 : i32
    %dma_wait3A_49 = arith.constant 0 : i32
    %dma_wait3A_50 = tpu.memref_slice %arg6[%dma_wait3A_47, %dma_wait3A_48, %dma_wait3A_49] : memref<2x400x128xf32, #tpu.memory_space<vmem>> -> memref<1x400x64xf32, #tpu.memory_space<vmem>>
    %dma_wait3A_51 = tpu.memref_squeeze %dma_wait3A_50 : memref<1x400x64xf32, #tpu.memory_space<vmem>> -> memref<400x64xf32, #tpu.memory_space<vmem>>
    %dma_wait3A_52 = arith.constant 0 : i32
    %dma_wait3A_53 = tpu.memref_slice %arg4[%add3A_33, %dma_wait3A_52] : memref<100000x64xf32, #tpu.memory_space<hbm>> -> memref<400x64xf32, #tpu.memory_space<hbm>>
    %dma_wait3A_54 = arith.constant 0 : i32
    %dma_wait3A_55 = tpu.memref_slice %arg4[%add3A_33, %dma_wait3A_54] : memref<100000x64xf32, #tpu.memory_space<hbm>> -> memref<400x64xf32, #tpu.memory_space<hbm>>
    %dma_wait3A_56 = arith.constant 0 : i32
    %dma_wait3A_57 = arith.constant 0 : i32
    %dma_wait3A_58 = tpu.memref_slice %arg6[%dma_wait3A_47, %dma_wait3A_56, %dma_wait3A_57] : memref<2x400x128xf32, #tpu.memory_space<vmem>> -> memref<1x400x64xf32, #tpu.memory_space<vmem>>
    %dma_wait3A_59 = tpu.memref_squeeze %dma_wait3A_58 : memref<1x400x64xf32, #tpu.memory_space<vmem>> -> memref<400x64xf32, #tpu.memory_space<vmem>>
    tpu.wait_dma2 semaphore(%arg9 : memref<!tpu.dma_semaphore, #tpu.memory_space<semaphore_mem>>) src(%dma_wait3A_59 : memref<400x64xf32, #tpu.memory_space<vmem>>) dst(%dma_wait3A_55 : memref<400x64xf32, #tpu.memory_space<hbm>>)
    %dma_start3A_60 = arith.constant 0 : i32
    %dma_start3A_61 = arith.constant 0 : i32
    %dma_start3A_62 = arith.constant 0 : i32
    %dma_start3A_63 = tpu.memref_slice %arg6[%dma_start3A_60, %dma_start3A_61, %dma_start3A_62] : memref<2x400x128xf32, #tpu.memory_space<vmem>> -> memref<1x400x128xf32, #tpu.memory_space<vmem>>
    %dma_start3A_64 = tpu.memref_squeeze %dma_start3A_63 : memref<1x400x128xf32, #tpu.memory_space<vmem>> -> memref<400x128xf32, #tpu.memory_space<vmem>>
    %dma_start3A_65 = arith.constant 800 : i32
    %dma_start3A_66 = tpu.memref_slice %arg5[%dma_start3A_65] : memref<3128xi32, #tpu.memory_space<vmem>> -> memref<400xi32, #tpu.memory_space<vmem>>
    %dma_start3A_67 = arith.constant 0 : i32
    %dma_start3A_68 = arith.constant 0 : i32
    %dma_start3A_69 = tpu.memref_slice %arg3[%dma_start3A_67, %dma_start3A_68] : memref<1000000x128xf32, #tpu.memory_space<hbm>> -> memref<1000000x128xf32, #tpu.memory_space<hbm>>
    tpu.enqueue_indirect_dma source(%dma_start3A_69 : memref<1000000x128xf32, #tpu.memory_space<hbm>>) target(%dma_start3A_64 : memref<400x128xf32, #tpu.memory_space<vmem>>) offsets(%dma_start3A_66 : memref<400xi32, #tpu.memory_space<vmem>>) semaphore(%arg7 : memref<!tpu.dma_semaphore, #tpu.memory_space<semaphore_mem>>)
    %dma_wait3A_70 = arith.constant 1 : i32
    %dma_wait3A_71 = arith.constant 0 : i32
    %dma_wait3A_72 = arith.constant 0 : i32
    %dma_wait3A_73 = tpu.memref_slice %arg6[%dma_wait3A_70, %dma_wait3A_71, %dma_wait3A_72] : memref<2x400x128xf32, #tpu.memory_space<vmem>> -> memref<1x400x128xf32, #tpu.memory_space<vmem>>
    %dma_wait3A_74 = tpu.memref_squeeze %dma_wait3A_73 : memref<1x400x128xf32, #tpu.memory_space<vmem>> -> memref<400x128xf32, #tpu.memory_space<vmem>>
    %dma_wait3A_75 = arith.constant 400 : i32
    %dma_wait3A_76 = tpu.memref_slice %arg5[%dma_wait3A_75] : memref<3128xi32, #tpu.memory_space<vmem>> -> memref<400xi32, #tpu.memory_space<vmem>>
    %dma_wait3A_77 = arith.constant 0 : i32
    %dma_wait3A_78 = arith.constant 0 : i32
    %dma_wait3A_79 = tpu.memref_slice %arg3[%dma_wait3A_77, %dma_wait3A_78] : memref<1000000x128xf32, #tpu.memory_space<hbm>> -> memref<1000000x128xf32, #tpu.memory_space<hbm>>
    tpu.wait_indirect_dma semaphore(%arg8 : memref<!tpu.dma_semaphore, #tpu.memory_space<semaphore_mem>>) src(%dma_wait3A_79 : memref<1000000x128xf32, #tpu.memory_space<hbm>>) dst(%dma_wait3A_74 : memref<400x128xf32, #tpu.memory_space<vmem>>)
    %add3A_80 = arith.constant 400 : i32
    %add3A_81 = arith.addi %min3A_3, %add3A_80 : i32
    %dma_start3A_82 = arith.constant 1 : i32
    %dma_start3A_83 = arith.constant 0 : i32
    %dma_start3A_84 = arith.constant 0 : i32
    %dma_start3A_85 = tpu.memref_slice %arg6[%dma_start3A_82, %dma_start3A_83, %dma_start3A_84] : memref<2x400x128xf32, #tpu.memory_space<vmem>> -> memref<1x400x64xf32, #tpu.memory_space<vmem>>
    %dma_start3A_86 = tpu.memref_squeeze %dma_start3A_85 : memref<1x400x64xf32, #tpu.memory_space<vmem>> -> memref<400x64xf32, #tpu.memory_space<vmem>>
    %dma_start3A_87 = arith.constant 0 : i32
    %dma_start3A_88 = tpu.memref_slice %arg4[%add3A_81, %dma_start3A_87] : memref<100000x64xf32, #tpu.memory_space<hbm>> -> memref<400x64xf32, #tpu.memory_space<hbm>>
    %dma_start3A_89 = arith.constant 0 : i32
    %dma_start3A_90 = tpu.memref_slice %arg4[%add3A_81, %dma_start3A_89] : memref<100000x64xf32, #tpu.memory_space<hbm>> -> memref<400x64xf32, #tpu.memory_space<hbm>>
    %dma_start3A_91 = arith.constant 0 : i32
    %dma_start3A_92 = arith.constant 0 : i32
    %dma_start3A_93 = tpu.memref_slice %arg6[%dma_start3A_82, %dma_start3A_91, %dma_start3A_92] : memref<2x400x128xf32, #tpu.memory_space<vmem>> -> memref<1x400x64xf32, #tpu.memory_space<vmem>>
    %dma_start3A_94 = tpu.memref_squeeze %dma_start3A_93 : memref<1x400x64xf32, #tpu.memory_space<vmem>> -> memref<400x64xf32, #tpu.memory_space<vmem>>
    tpu.enqueue_dma source(%dma_start3A_94 : memref<400x64xf32, #tpu.memory_space<vmem>>) target(%dma_start3A_90 : memref<400x64xf32, #tpu.memory_space<hbm>>) target_semaphore(%arg10 : memref<!tpu.dma_semaphore, #tpu.memory_space<semaphore_mem>>)
    %dma_wait3A_95 = arith.constant 1 : i32
    %dma_wait3A_96 = arith.constant 0 : i32
    %dma_wait3A_97 = arith.constant 0 : i32
    %dma_wait3A_98 = tpu.memref_slice %arg6[%dma_wait3A_95, %dma_wait3A_96, %dma_wait3A_97] : memref<2x400x128xf32, #tpu.memory_space<vmem>> -> memref<1x400x64xf32, #tpu.memory_space<vmem>>
    %dma_wait3A_99 = tpu.memref_squeeze %dma_wait3A_98 : memref<1x400x64xf32, #tpu.memory_space<vmem>> -> memref<400x64xf32, #tpu.memory_space<vmem>>
    %dma_wait3A_100 = arith.constant 0 : i32
    %dma_wait3A_101 = tpu.memref_slice %arg4[%add3A_81, %dma_wait3A_100] : memref<100000x64xf32, #tpu.memory_space<hbm>> -> memref<400x64xf32, #tpu.memory_space<hbm>>
    %dma_wait3A_102 = arith.constant 0 : i32
    %dma_wait3A_103 = tpu.memref_slice %arg4[%add3A_81, %dma_wait3A_102] : memref<100000x64xf32, #tpu.memory_space<hbm>> -> memref<400x64xf32, #tpu.memory_space<hbm>>
    %dma_wait3A_104 = arith.constant 0 : i32
    %dma_wait3A_105 = arith.constant 0 : i32
    %dma_wait3A_106 = tpu.memref_slice %arg6[%dma_wait3A_95, %dma_wait3A_104, %dma_wait3A_105] : memref<2x400x128xf32, #tpu.memory_space<vmem>> -> memref<1x400x64xf32, #tpu.memory_space<vmem>>
    %dma_wait3A_107 = tpu.memref_squeeze %dma_wait3A_106 : memref<1x400x64xf32, #tpu.memory_space<vmem>> -> memref<400x64xf32, #tpu.memory_space<vmem>>
    tpu.wait_dma2 semaphore(%arg10 : memref<!tpu.dma_semaphore, #tpu.memory_space<semaphore_mem>>) src(%dma_wait3A_107 : memref<400x64xf32, #tpu.memory_space<vmem>>) dst(%dma_wait3A_103 : memref<400x64xf32, #tpu.memory_space<hbm>>)
    %dma_start3A_108 = arith.constant 1 : i32
    %dma_start3A_109 = arith.constant 0 : i32
    %dma_start3A_110 = arith.constant 0 : i32
    %dma_start3A_111 = tpu.memref_slice %arg6[%dma_start3A_108, %dma_start3A_109, %dma_start3A_110] : memref<2x400x128xf32, #tpu.memory_space<vmem>> -> memref<1x400x128xf32, #tpu.memory_space<vmem>>
    %dma_start3A_112 = tpu.memref_squeeze %dma_start3A_111 : memref<1x400x128xf32, #tpu.memory_space<vmem>> -> memref<400x128xf32, #tpu.memory_space<vmem>>
    %dma_start3A_113 = arith.constant 1200 : i32
    %dma_start3A_114 = tpu.memref_slice %arg5[%dma_start3A_113] : memref<3128xi32, #tpu.memory_space<vmem>> -> memref<400xi32, #tpu.memory_space<vmem>>
    %dma_start3A_115 = arith.constant 0 : i32
    %dma_start3A_116 = arith.constant 0 : i32
    %dma_start3A_117 = tpu.memref_slice %arg3[%dma_start3A_115, %dma_start3A_116] : memref<1000000x128xf32, #tpu.memory_space<hbm>> -> memref<1000000x128xf32, #tpu.memory_space<hbm>>
    tpu.enqueue_indirect_dma source(%dma_start3A_117 : memref<1000000x128xf32, #tpu.memory_space<hbm>>) target(%dma_start3A_112 : memref<400x128xf32, #tpu.memory_space<vmem>>) offsets(%dma_start3A_114 : memref<400xi32, #tpu.memory_space<vmem>>) semaphore(%arg8 : memref<!tpu.dma_semaphore, #tpu.memory_space<semaphore_mem>>)
    %dma_wait3A_118 = arith.constant 0 : i32
    %dma_wait3A_119 = arith.constant 0 : i32
    %dma_wait3A_120 = arith.constant 0 : i32
    %dma_wait3A_121 = tpu.memref_slice %arg6[%dma_wait3A_118, %dma_wait3A_119, %dma_wait3A_120] : memref<2x400x128xf32, #tpu.memory_space<vmem>> -> memref<1x400x128xf32, #tpu.memory_space<vmem>>
    %dma_wait3A_122 = tpu.memref_squeeze %dma_wait3A_121 : memref<1x400x128xf32, #tpu.memory_space<vmem>> -> memref<400x128xf32, #tpu.memory_space<vmem>>
    %dma_wait3A_123 = arith.constant 800 : i32
    %dma_wait3A_124 = tpu.memref_slice %arg5[%dma_wait3A_123] : memref<3128xi32, #tpu.memory_space<vmem>> -> memref<400xi32, #tpu.memory_space<vmem>>
    %dma_wait3A_125 = arith.constant 0 : i32
    %dma_wait3A_126 = arith.constant 0 : i32
    %dma_wait3A_127 = tpu.memref_slice %arg3[%dma_wait3A_125, %dma_wait3A_126] : memref<1000000x128xf32, #tpu.memory_space<hbm>> -> memref<1000000x128xf32, #tpu.memory_space<hbm>>
    tpu.wait_indirect_dma semaphore(%arg7 : memref<!tpu.dma_semaphore, #tpu.memory_space<semaphore_mem>>) src(%dma_wait3A_127 : memref<1000000x128xf32, #tpu.memory_space<hbm>>) dst(%dma_wait3A_122 : memref<400x128xf32, #tpu.memory_space<vmem>>)
    %add3A_128 = arith.constant 800 : i32
    %add3A_129 = arith.addi %min3A_3, %add3A_128 : i32
    %dma_start3A_130 = arith.constant 0 : i32
    %dma_start3A_131 = arith.constant 0 : i32
    %dma_start3A_132 = arith.constant 0 : i32
    %dma_start3A_133 = tpu.memref_slice %arg6[%dma_start3A_130, %dma_start3A_131, %dma_start3A_132] : memref<2x400x128xf32, #tpu.memory_space<vmem>> -> memref<1x400x64xf32, #tpu.memory_space<vmem>>
    %dma_start3A_134 = tpu.memref_squeeze %dma_start3A_133 : memref<1x400x64xf32, #tpu.memory_space<vmem>> -> memref<400x64xf32, #tpu.memory_space<vmem>>
    %dma_start3A_135 = arith.constant 0 : i32
    %dma_start3A_136 = tpu.memref_slice %arg4[%add3A_129, %dma_start3A_135] : memref<100000x64xf32, #tpu.memory_space<hbm>> -> memref<400x64xf32, #tpu.memory_space<hbm>>
    %dma_start3A_137 = arith.constant 0 : i32
    %dma_start3A_138 = tpu.memref_slice %arg4[%add3A_129, %dma_start3A_137] : memref<100000x64xf32, #tpu.memory_space<hbm>> -> memref<400x64xf32, #tpu.memory_space<hbm>>
    %dma_start3A_139 = arith.constant 0 : i32
    %dma_start3A_140 = arith.constant 0 : i32
    %dma_start3A_141 = tpu.memref_slice %arg6[%dma_start3A_130, %dma_start3A_139, %dma_start3A_140] : memref<2x400x128xf32, #tpu.memory_space<vmem>> -> memref<1x400x64xf32, #tpu.memory_space<vmem>>
    %dma_start3A_142 = tpu.memref_squeeze %dma_start3A_141 : memref<1x400x64xf32, #tpu.memory_space<vmem>> -> memref<400x64xf32, #tpu.memory_space<vmem>>
    tpu.enqueue_dma source(%dma_start3A_142 : memref<400x64xf32, #tpu.memory_space<vmem>>) target(%dma_start3A_138 : memref<400x64xf32, #tpu.memory_space<hbm>>) target_semaphore(%arg9 : memref<!tpu.dma_semaphore, #tpu.memory_space<semaphore_mem>>)
    %dma_wait3A_143 = arith.constant 0 : i32
    %dma_wait3A_144 = arith.constant 0 : i32
    %dma_wait3A_145 = arith.constant 0 : i32
    %dma_wait3A_146 = tpu.memref_slice %arg6[%dma_wait3A_143, %dma_wait3A_144, %dma_wait3A_145] : memref<2x400x128xf32, #tpu.memory_space<vmem>> -> memref<1x400x64xf32, #tpu.memory_space<vmem>>
    %dma_wait3A_147 = tpu.memref_squeeze %dma_wait3A_146 : memref<1x400x64xf32, #tpu.memory_space<vmem>> -> memref<400x64xf32, #tpu.memory_space<vmem>>
    %dma_wait3A_148 = arith.constant 0 : i32
    %dma_wait3A_149 = tpu.memref_slice %arg4[%add3A_129, %dma_wait3A_148] : memref<100000x64xf32, #tpu.memory_space<hbm>> -> memref<400x64xf32, #tpu.memory_space<hbm>>
    %dma_wait3A_150 = arith.constant 0 : i32
    %dma_wait3A_151 = tpu.memref_slice %arg4[%add3A_129, %dma_wait3A_150] : memref<100000x64xf32, #tpu.memory_space<hbm>> -> memref<400x64xf32, #tpu.memory_space<hbm>>
    %dma_wait3A_152 = arith.constant 0 : i32
    %dma_wait3A_153 = arith.constant 0 : i32
    %dma_wait3A_154 = tpu.memref_slice %arg6[%dma_wait3A_143, %dma_wait3A_152, %dma_wait3A_153] : memref<2x400x128xf32, #tpu.memory_space<vmem>> -> memref<1x400x64xf32, #tpu.memory_space<vmem>>
    %dma_wait3A_155 = tpu.memref_squeeze %dma_wait3A_154 : memref<1x400x64xf32, #tpu.memory_space<vmem>> -> memref<400x64xf32, #tpu.memory_space<vmem>>
    tpu.wait_dma2 semaphore(%arg9 : memref<!tpu.dma_semaphore, #tpu.memory_space<semaphore_mem>>) src(%dma_wait3A_155 : memref<400x64xf32, #tpu.memory_space<vmem>>) dst(%dma_wait3A_151 : memref<400x64xf32, #tpu.memory_space<hbm>>)
    %dma_start3A_156 = arith.constant 0 : i32
    %dma_start3A_157 = arith.constant 0 : i32
    %dma_start3A_158 = arith.constant 0 : i32
    %dma_start3A_159 = tpu.memref_slice %arg6[%dma_start3A_156, %dma_start3A_157, %dma_start3A_158] : memref<2x400x128xf32, #tpu.memory_space<vmem>> -> memref<1x400x128xf32, #tpu.memory_space<vmem>>
    %dma_start3A_160 = tpu.memref_squeeze %dma_start3A_159 : memref<1x400x128xf32, #tpu.memory_space<vmem>> -> memref<400x128xf32, #tpu.memory_space<vmem>>
    %dma_start3A_161 = arith.constant 1600 : i32
    %dma_start3A_162 = tpu.memref_slice %arg5[%dma_start3A_161] : memref<3128xi32, #tpu.memory_space<vmem>> -> memref<400xi32, #tpu.memory_space<vmem>>
    %dma_start3A_163 = arith.constant 0 : i32
    %dma_start3A_164 = arith.constant 0 : i32
    %dma_start3A_165 = tpu.memref_slice %arg3[%dma_start3A_163, %dma_start3A_164] : memref<1000000x128xf32, #tpu.memory_space<hbm>> -> memref<1000000x128xf32, #tpu.memory_space<hbm>>
    tpu.enqueue_indirect_dma source(%dma_start3A_165 : memref<1000000x128xf32, #tpu.memory_space<hbm>>) target(%dma_start3A_160 : memref<400x128xf32, #tpu.memory_space<vmem>>) offsets(%dma_start3A_162 : memref<400xi32, #tpu.memory_space<vmem>>) semaphore(%arg7 : memref<!tpu.dma_semaphore, #tpu.memory_space<semaphore_mem>>)
    %dma_wait3A_166 = arith.constant 1 : i32
    %dma_wait3A_167 = arith.constant 0 : i32
    %dma_wait3A_168 = arith.constant 0 : i32
    %dma_wait3A_169 = tpu.memref_slice %arg6[%dma_wait3A_166, %dma_wait3A_167, %dma_wait3A_168] : memref<2x400x128xf32, #tpu.memory_space<vmem>> -> memref<1x400x128xf32, #tpu.memory_space<vmem>>
    %dma_wait3A_170 = tpu.memref_squeeze %dma_wait3A_169 : memref<1x400x128xf32, #tpu.memory_space<vmem>> -> memref<400x128xf32, #tpu.memory_space<vmem>>
    %dma_wait3A_171 = arith.constant 1200 : i32
    %dma_wait3A_172 = tpu.memref_slice %arg5[%dma_wait3A_171] : memref<3128xi32, #tpu.memory_space<vmem>> -> memref<400xi32, #tpu.memory_space<vmem>>
    %dma_wait3A_173 = arith.constant 0 : i32
    %dma_wait3A_174 = arith.constant 0 : i32
    %dma_wait3A_175 = tpu.memref_slice %arg3[%dma_wait3A_173, %dma_wait3A_174] : memref<1000000x128xf32, #tpu.memory_space<hbm>> -> memref<1000000x128xf32, #tpu.memory_space<hbm>>
    tpu.wait_indirect_dma semaphore(%arg8 : memref<!tpu.dma_semaphore, #tpu.memory_space<semaphore_mem>>) src(%dma_wait3A_175 : memref<1000000x128xf32, #tpu.memory_space<hbm>>) dst(%dma_wait3A_170 : memref<400x128xf32, #tpu.memory_space<vmem>>)
    %add3A_176 = arith.constant 1200 : i32
    %add3A_177 = arith.addi %min3A_3, %add3A_176 : i32
    %dma_start3A_178 = arith.constant 1 : i32
    %dma_start3A_179 = arith.constant 0 : i32
    %dma_start3A_180 = arith.constant 0 : i32
    %dma_start3A_181 = tpu.memref_slice %arg6[%dma_start3A_178, %dma_start3A_179, %dma_start3A_180] : memref<2x400x128xf32, #tpu.memory_space<vmem>> -> memref<1x400x64xf32, #tpu.memory_space<vmem>>
    %dma_start3A_182 = tpu.memref_squeeze %dma_start3A_181 : memref<1x400x64xf32, #tpu.memory_space<vmem>> -> memref<400x64xf32, #tpu.memory_space<vmem>>
    %dma_start3A_183 = arith.constant 0 : i32
    %dma_start3A_184 = tpu.memref_slice %arg4[%add3A_177, %dma_start3A_183] : memref<100000x64xf32, #tpu.memory_space<hbm>> -> memref<400x64xf32, #tpu.memory_space<hbm>>
    %dma_start3A_185 = arith.constant 0 : i32
    %dma_start3A_186 = tpu.memref_slice %arg4[%add3A_177, %dma_start3A_185] : memref<100000x64xf32, #tpu.memory_space<hbm>> -> memref<400x64xf32, #tpu.memory_space<hbm>>
    %dma_start3A_187 = arith.constant 0 : i32
    %dma_start3A_188 = arith.constant 0 : i32
    %dma_start3A_189 = tpu.memref_slice %arg6[%dma_start3A_178, %dma_start3A_187, %dma_start3A_188] : memref<2x400x128xf32, #tpu.memory_space<vmem>> -> memref<1x400x64xf32, #tpu.memory_space<vmem>>
    %dma_start3A_190 = tpu.memref_squeeze %dma_start3A_189 : memref<1x400x64xf32, #tpu.memory_space<vmem>> -> memref<400x64xf32, #tpu.memory_space<vmem>>
    tpu.enqueue_dma source(%dma_start3A_190 : memref<400x64xf32, #tpu.memory_space<vmem>>) target(%dma_start3A_186 : memref<400x64xf32, #tpu.memory_space<hbm>>) target_semaphore(%arg10 : memref<!tpu.dma_semaphore, #tpu.memory_space<semaphore_mem>>)
    %dma_wait3A_191 = arith.constant 1 : i32
    %dma_wait3A_192 = arith.constant 0 : i32
    %dma_wait3A_193 = arith.constant 0 : i32
    %dma_wait3A_194 = tpu.memref_slice %arg6[%dma_wait3A_191, %dma_wait3A_192, %dma_wait3A_193] : memref<2x400x128xf32, #tpu.memory_space<vmem>> -> memref<1x400x64xf32, #tpu.memory_space<vmem>>
    %dma_wait3A_195 = tpu.memref_squeeze %dma_wait3A_194 : memref<1x400x64xf32, #tpu.memory_space<vmem>> -> memref<400x64xf32, #tpu.memory_space<vmem>>
    %dma_wait3A_196 = arith.constant 0 : i32
    %dma_wait3A_197 = tpu.memref_slice %arg4[%add3A_177, %dma_wait3A_196] : memref<100000x64xf32, #tpu.memory_space<hbm>> -> memref<400x64xf32, #tpu.memory_space<hbm>>
    %dma_wait3A_198 = arith.constant 0 : i32
    %dma_wait3A_199 = tpu.memref_slice %arg4[%add3A_177, %dma_wait3A_198] : memref<100000x64xf32, #tpu.memory_space<hbm>> -> memref<400x64xf32, #tpu.memory_space<hbm>>
    %dma_wait3A_200 = arith.constant 0 : i32
    %dma_wait3A_201 = arith.constant 0 : i32
    %dma_wait3A_202 = tpu.memref_slice %arg6[%dma_wait3A_191, %dma_wait3A_200, %dma_wait3A_201] : memref<2x400x128xf32, #tpu.memory_space<vmem>> -> memref<1x400x64xf32, #tpu.memory_space<vmem>>
    %dma_wait3A_203 = tpu.memref_squeeze %dma_wait3A_202 : memref<1x400x64xf32, #tpu.memory_space<vmem>> -> memref<400x64xf32, #tpu.memory_space<vmem>>
    tpu.wait_dma2 semaphore(%arg10 : memref<!tpu.dma_semaphore, #tpu.memory_space<semaphore_mem>>) src(%dma_wait3A_203 : memref<400x64xf32, #tpu.memory_space<vmem>>) dst(%dma_wait3A_199 : memref<400x64xf32, #tpu.memory_space<hbm>>)
    %dma_start3A_204 = arith.constant 1 : i32
    %dma_start3A_205 = arith.constant 0 : i32
    %dma_start3A_206 = arith.constant 0 : i32
    %dma_start3A_207 = tpu.memref_slice %arg6[%dma_start3A_204, %dma_start3A_205, %dma_start3A_206] : memref<2x400x128xf32, #tpu.memory_space<vmem>> -> memref<1x400x128xf32, #tpu.memory_space<vmem>>
    %dma_start3A_208 = tpu.memref_squeeze %dma_start3A_207 : memref<1x400x128xf32, #tpu.memory_space<vmem>> -> memref<400x128xf32, #tpu.memory_space<vmem>>
    %dma_start3A_209 = arith.constant 2000 : i32
    %dma_start3A_210 = tpu.memref_slice %arg5[%dma_start3A_209] : memref<3128xi32, #tpu.memory_space<vmem>> -> memref<400xi32, #tpu.memory_space<vmem>>
    %dma_start3A_211 = arith.constant 0 : i32
    %dma_start3A_212 = arith.constant 0 : i32
    %dma_start3A_213 = tpu.memref_slice %arg3[%dma_start3A_211, %dma_start3A_212] : memref<1000000x128xf32, #tpu.memory_space<hbm>> -> memref<1000000x128xf32, #tpu.memory_space<hbm>>
    tpu.enqueue_indirect_dma source(%dma_start3A_213 : memref<1000000x128xf32, #tpu.memory_space<hbm>>) target(%dma_start3A_208 : memref<400x128xf32, #tpu.memory_space<vmem>>) offsets(%dma_start3A_210 : memref<400xi32, #tpu.memory_space<vmem>>) semaphore(%arg8 : memref<!tpu.dma_semaphore, #tpu.memory_space<semaphore_mem>>)
    %dma_wait3A_214 = arith.constant 0 : i32
    %dma_wait3A_215 = arith.constant 0 : i32
    %dma_wait3A_216 = arith.constant 0 : i32
    %dma_wait3A_217 = tpu.memref_slice %arg6[%dma_wait3A_214, %dma_wait3A_215, %dma_wait3A_216] : memref<2x400x128xf32, #tpu.memory_space<vmem>> -> memref<1x400x128xf32, #tpu.memory_space<vmem>>
    %dma_wait3A_218 = tpu.memref_squeeze %dma_wait3A_217 : memref<1x400x128xf32, #tpu.memory_space<vmem>> -> memref<400x128xf32, #tpu.memory_space<vmem>>
    %dma_wait3A_219 = arith.constant 1600 : i32
    %dma_wait3A_220 = tpu.memref_slice %arg5[%dma_wait3A_219] : memref<3128xi32, #tpu.memory_space<vmem>> -> memref<400xi32, #tpu.memory_space<vmem>>
    %dma_wait3A_221 = arith.constant 0 : i32
    %dma_wait3A_222 = arith.constant 0 : i32
    %dma_wait3A_223 = tpu.memref_slice %arg3[%dma_wait3A_221, %dma_wait3A_222] : memref<1000000x128xf32, #tpu.memory_space<hbm>> -> memref<1000000x128xf32, #tpu.memory_space<hbm>>
    tpu.wait_indirect_dma semaphore(%arg7 : memref<!tpu.dma_semaphore, #tpu.memory_space<semaphore_mem>>) src(%dma_wait3A_223 : memref<1000000x128xf32, #tpu.memory_space<hbm>>) dst(%dma_wait3A_218 : memref<400x128xf32, #tpu.memory_space<vmem>>)
    %add3A_224 = arith.constant 1600 : i32
    %add3A_225 = arith.addi %min3A_3, %add3A_224 : i32
    %dma_start3A_226 = arith.constant 0 : i32
    %dma_start3A_227 = arith.constant 0 : i32
    %dma_start3A_228 = arith.constant 0 : i32
    %dma_start3A_229 = tpu.memref_slice %arg6[%dma_start3A_226, %dma_start3A_227, %dma_start3A_228] : memref<2x400x128xf32, #tpu.memory_space<vmem>> -> memref<1x400x64xf32, #tpu.memory_space<vmem>>
    %dma_start3A_230 = tpu.memref_squeeze %dma_start3A_229 : memref<1x400x64xf32, #tpu.memory_space<vmem>> -> memref<400x64xf32, #tpu.memory_space<vmem>>
    %dma_start3A_231 = arith.constant 0 : i32
    %dma_start3A_232 = tpu.memref_slice %arg4[%add3A_225, %dma_start3A_231] : memref<100000x64xf32, #tpu.memory_space<hbm>> -> memref<400x64xf32, #tpu.memory_space<hbm>>
    %dma_start3A_233 = arith.constant 0 : i32
    %dma_start3A_234 = tpu.memref_slice %arg4[%add3A_225, %dma_start3A_233] : memref<100000x64xf32, #tpu.memory_space<hbm>> -> memref<400x64xf32, #tpu.memory_space<hbm>>
    %dma_start3A_235 = arith.constant 0 : i32
    %dma_start3A_236 = arith.constant 0 : i32
    %dma_start3A_237 = tpu.memref_slice %arg6[%dma_start3A_226, %dma_start3A_235, %dma_start3A_236] : memref<2x400x128xf32, #tpu.memory_space<vmem>> -> memref<1x400x64xf32, #tpu.memory_space<vmem>>
    %dma_start3A_238 = tpu.memref_squeeze %dma_start3A_237 : memref<1x400x64xf32, #tpu.memory_space<vmem>> -> memref<400x64xf32, #tpu.memory_space<vmem>>
    tpu.enqueue_dma source(%dma_start3A_238 : memref<400x64xf32, #tpu.memory_space<vmem>>) target(%dma_start3A_234 : memref<400x64xf32, #tpu.memory_space<hbm>>) target_semaphore(%arg9 : memref<!tpu.dma_semaphore, #tpu.memory_space<semaphore_mem>>)
    %dma_wait3A_239 = arith.constant 0 : i32
    %dma_wait3A_240 = arith.constant 0 : i32
    %dma_wait3A_241 = arith.constant 0 : i32
    %dma_wait3A_242 = tpu.memref_slice %arg6[%dma_wait3A_239, %dma_wait3A_240, %dma_wait3A_241] : memref<2x400x128xf32, #tpu.memory_space<vmem>> -> memref<1x400x64xf32, #tpu.memory_space<vmem>>
    %dma_wait3A_243 = tpu.memref_squeeze %dma_wait3A_242 : memref<1x400x64xf32, #tpu.memory_space<vmem>> -> memref<400x64xf32, #tpu.memory_space<vmem>>
    %dma_wait3A_244 = arith.constant 0 : i32
    %dma_wait3A_245 = tpu.memref_slice %arg4[%add3A_225, %dma_wait3A_244] : memref<100000x64xf32, #tpu.memory_space<hbm>> -> memref<400x64xf32, #tpu.memory_space<hbm>>
    %dma_wait3A_246 = arith.constant 0 : i32
    %dma_wait3A_247 = tpu.memref_slice %arg4[%add3A_225, %dma_wait3A_246] : memref<100000x64xf32, #tpu.memory_space<hbm>> -> memref<400x64xf32, #tpu.memory_space<hbm>>
    %dma_wait3A_248 = arith.constant 0 : i32
    %dma_wait3A_249 = arith.constant 0 : i32
    %dma_wait3A_250 = tpu.memref_slice %arg6[%dma_wait3A_239, %dma_wait3A_248, %dma_wait3A_249] : memref<2x400x128xf32, #tpu.memory_space<vmem>> -> memref<1x400x64xf32, #tpu.memory_space<vmem>>
    %dma_wait3A_251 = tpu.memref_squeeze %dma_wait3A_250 : memref<1x400x64xf32, #tpu.memory_space<vmem>> -> memref<400x64xf32, #tpu.memory_space<vmem>>
    tpu.wait_dma2 semaphore(%arg9 : memref<!tpu.dma_semaphore, #tpu.memory_space<semaphore_mem>>) src(%dma_wait3A_251 : memref<400x64xf32, #tpu.memory_space<vmem>>) dst(%dma_wait3A_247 : memref<400x64xf32, #tpu.memory_space<hbm>>)
    %dma_start3A_252 = arith.constant 0 : i32
    %dma_start3A_253 = arith.constant 0 : i32
    %dma_start3A_254 = arith.constant 0 : i32
    %dma_start3A_255 = tpu.memref_slice %arg6[%dma_start3A_252, %dma_start3A_253, %dma_start3A_254] : memref<2x400x128xf32, #tpu.memory_space<vmem>> -> memref<1x400x128xf32, #tpu.memory_space<vmem>>
    %dma_start3A_256 = tpu.memref_squeeze %dma_start3A_255 : memref<1x400x128xf32, #tpu.memory_space<vmem>> -> memref<400x128xf32, #tpu.memory_space<vmem>>
    %dma_start3A_257 = arith.constant 2400 : i32
    %dma_start3A_258 = tpu.memref_slice %arg5[%dma_start3A_257] : memref<3128xi32, #tpu.memory_space<vmem>> -> memref<400xi32, #tpu.memory_space<vmem>>
    %dma_start3A_259 = arith.constant 0 : i32
    %dma_start3A_260 = arith.constant 0 : i32
    %dma_start3A_261 = tpu.memref_slice %arg3[%dma_start3A_259, %dma_start3A_260] : memref<1000000x128xf32, #tpu.memory_space<hbm>> -> memref<1000000x128xf32, #tpu.memory_space<hbm>>
    tpu.enqueue_indirect_dma source(%dma_start3A_261 : memref<1000000x128xf32, #tpu.memory_space<hbm>>) target(%dma_start3A_256 : memref<400x128xf32, #tpu.memory_space<vmem>>) offsets(%dma_start3A_258 : memref<400xi32, #tpu.memory_space<vmem>>) semaphore(%arg7 : memref<!tpu.dma_semaphore, #tpu.memory_space<semaphore_mem>>)
    %dma_wait3A_262 = arith.constant 1 : i32
    %dma_wait3A_263 = arith.constant 0 : i32
    %dma_wait3A_264 = arith.constant 0 : i32
    %dma_wait3A_265 = tpu.memref_slice %arg6[%dma_wait3A_262, %dma_wait3A_263, %dma_wait3A_264] : memref<2x400x128xf32, #tpu.memory_space<vmem>> -> memref<1x400x128xf32, #tpu.memory_space<vmem>>
    %dma_wait3A_266 = tpu.memref_squeeze %dma_wait3A_265 : memref<1x400x128xf32, #tpu.memory_space<vmem>> -> memref<400x128xf32, #tpu.memory_space<vmem>>
    %dma_wait3A_267 = arith.constant 2000 : i32
    %dma_wait3A_268 = tpu.memref_slice %arg5[%dma_wait3A_267] : memref<3128xi32, #tpu.memory_space<vmem>> -> memref<400xi32, #tpu.memory_space<vmem>>
    %dma_wait3A_269 = arith.constant 0 : i32
    %dma_wait3A_270 = arith.constant 0 : i32
    %dma_wait3A_271 = tpu.memref_slice %arg3[%dma_wait3A_269, %dma_wait3A_270] : memref<1000000x128xf32, #tpu.memory_space<hbm>> -> memref<1000000x128xf32, #tpu.memory_space<hbm>>
    tpu.wait_indirect_dma semaphore(%arg8 : memref<!tpu.dma_semaphore, #tpu.memory_space<semaphore_mem>>) src(%dma_wait3A_271 : memref<1000000x128xf32, #tpu.memory_space<hbm>>) dst(%dma_wait3A_266 : memref<400x128xf32, #tpu.memory_space<vmem>>)
    %add3A_272 = arith.constant 2000 : i32
    %add3A_273 = arith.addi %min3A_3, %add3A_272 : i32
    %dma_start3A_274 = arith.constant 1 : i32
    %dma_start3A_275 = arith.constant 0 : i32
    %dma_start3A_276 = arith.constant 0 : i32
    %dma_start3A_277 = tpu.memref_slice %arg6[%dma_start3A_274, %dma_start3A_275, %dma_start3A_276] : memref<2x400x128xf32, #tpu.memory_space<vmem>> -> memref<1x400x64xf32, #tpu.memory_space<vmem>>
    %dma_start3A_278 = tpu.memref_squeeze %dma_start3A_277 : memref<1x400x64xf32, #tpu.memory_space<vmem>> -> memref<400x64xf32, #tpu.memory_space<vmem>>
    %dma_start3A_279 = arith.constant 0 : i32
    %dma_start3A_280 = tpu.memref_slice %arg4[%add3A_273, %dma_start3A_279] : memref<100000x64xf32, #tpu.memory_space<hbm>> -> memref<400x64xf32, #tpu.memory_space<hbm>>
    %dma_start3A_281 = arith.constant 0 : i32
    %dma_start3A_282 = tpu.memref_slice %arg4[%add3A_273, %dma_start3A_281] : memref<100000x64xf32, #tpu.memory_space<hbm>> -> memref<400x64xf32, #tpu.memory_space<hbm>>
    %dma_start3A_283 = arith.constant 0 : i32
    %dma_start3A_284 = arith.constant 0 : i32
    %dma_start3A_285 = tpu.memref_slice %arg6[%dma_start3A_274, %dma_start3A_283, %dma_start3A_284] : memref<2x400x128xf32, #tpu.memory_space<vmem>> -> memref<1x400x64xf32, #tpu.memory_space<vmem>>
    %dma_start3A_286 = tpu.memref_squeeze %dma_start3A_285 : memref<1x400x64xf32, #tpu.memory_space<vmem>> -> memref<400x64xf32, #tpu.memory_space<vmem>>
    tpu.enqueue_dma source(%dma_start3A_286 : memref<400x64xf32, #tpu.memory_space<vmem>>) target(%dma_start3A_282 : memref<400x64xf32, #tpu.memory_space<hbm>>) target_semaphore(%arg10 : memref<!tpu.dma_semaphore, #tpu.memory_space<semaphore_mem>>)
    %dma_wait3A_287 = arith.constant 1 : i32
    %dma_wait3A_288 = arith.constant 0 : i32
    %dma_wait3A_289 = arith.constant 0 : i32
    %dma_wait3A_290 = tpu.memref_slice %arg6[%dma_wait3A_287, %dma_wait3A_288, %dma_wait3A_289] : memref<2x400x128xf32, #tpu.memory_space<vmem>> -> memref<1x400x64xf32, #tpu.memory_space<vmem>>
    %dma_wait3A_291 = tpu.memref_squeeze %dma_wait3A_290 : memref<1x400x64xf32, #tpu.memory_space<vmem>> -> memref<400x64xf32, #tpu.memory_space<vmem>>
    %dma_wait3A_292 = arith.constant 0 : i32
    %dma_wait3A_293 = tpu.memref_slice %arg4[%add3A_273, %dma_wait3A_292] : memref<100000x64xf32, #tpu.memory_space<hbm>> -> memref<400x64xf32, #tpu.memory_space<hbm>>
    %dma_wait3A_294 = arith.constant 0 : i32
    %dma_wait3A_295 = tpu.memref_slice %arg4[%add3A_273, %dma_wait3A_294] : memref<100000x64xf32, #tpu.memory_space<hbm>> -> memref<400x64xf32, #tpu.memory_space<hbm>>
    %dma_wait3A_296 = arith.constant 0 : i32
    %dma_wait3A_297 = arith.constant 0 : i32
    %dma_wait3A_298 = tpu.memref_slice %arg6[%dma_wait3A_287, %dma_wait3A_296, %dma_wait3A_297] : memref<2x400x128xf32, #tpu.memory_space<vmem>> -> memref<1x400x64xf32, #tpu.memory_space<vmem>>
    %dma_wait3A_299 = tpu.memref_squeeze %dma_wait3A_298 : memref<1x400x64xf32, #tpu.memory_space<vmem>> -> memref<400x64xf32, #tpu.memory_space<vmem>>
    tpu.wait_dma2 semaphore(%arg10 : memref<!tpu.dma_semaphore, #tpu.memory_space<semaphore_mem>>) src(%dma_wait3A_299 : memref<400x64xf32, #tpu.memory_space<vmem>>) dst(%dma_wait3A_295 : memref<400x64xf32, #tpu.memory_space<hbm>>)
    %dma_start3A_300 = arith.constant 1 : i32
    %dma_start3A_301 = arith.constant 0 : i32
    %dma_start3A_302 = arith.constant 0 : i32
    %dma_start3A_303 = tpu.memref_slice %arg6[%dma_start3A_300, %dma_start3A_301, %dma_start3A_302] : memref<2x400x128xf32, #tpu.memory_space<vmem>> -> memref<1x400x128xf32, #tpu.memory_space<vmem>>
    %dma_start3A_304 = tpu.memref_squeeze %dma_start3A_303 : memref<1x400x128xf32, #tpu.memory_space<vmem>> -> memref<400x128xf32, #tpu.memory_space<vmem>>
    %dma_start3A_305 = arith.constant 2728 : i32
    %dma_start3A_306 = tpu.memref_slice %arg5[%dma_start3A_305] : memref<3128xi32, #tpu.memory_space<vmem>> -> memref<400xi32, #tpu.memory_space<vmem>>
    %dma_start3A_307 = arith.constant 0 : i32
    %dma_start3A_308 = arith.constant 0 : i32
    %dma_start3A_309 = tpu.memref_slice %arg3[%dma_start3A_307, %dma_start3A_308] : memref<1000000x128xf32, #tpu.memory_space<hbm>> -> memref<1000000x128xf32, #tpu.memory_space<hbm>>
    tpu.enqueue_indirect_dma source(%dma_start3A_309 : memref<1000000x128xf32, #tpu.memory_space<hbm>>) target(%dma_start3A_304 : memref<400x128xf32, #tpu.memory_space<vmem>>) offsets(%dma_start3A_306 : memref<400xi32, #tpu.memory_space<vmem>>) semaphore(%arg8 : memref<!tpu.dma_semaphore, #tpu.memory_space<semaphore_mem>>)
    %dma_wait3A_310 = arith.constant 0 : i32
    %dma_wait3A_311 = arith.constant 0 : i32
    %dma_wait3A_312 = arith.constant 0 : i32
    %dma_wait3A_313 = tpu.memref_slice %arg6[%dma_wait3A_310, %dma_wait3A_311, %dma_wait3A_312] : memref<2x400x128xf32, #tpu.memory_space<vmem>> -> memref<1x400x128xf32, #tpu.memory_space<vmem>>
    %dma_wait3A_314 = tpu.memref_squeeze %dma_wait3A_313 : memref<1x400x128xf32, #tpu.memory_space<vmem>> -> memref<400x128xf32, #tpu.memory_space<vmem>>
    %dma_wait3A_315 = arith.constant 2400 : i32
    %dma_wait3A_316 = tpu.memref_slice %arg5[%dma_wait3A_315] : memref<3128xi32, #tpu.memory_space<vmem>> -> memref<400xi32, #tpu.memory_space<vmem>>
    %dma_wait3A_317 = arith.constant 0 : i32
    %dma_wait3A_318 = arith.constant 0 : i32
    %dma_wait3A_319 = tpu.memref_slice %arg3[%dma_wait3A_317, %dma_wait3A_318] : memref<1000000x128xf32, #tpu.memory_space<hbm>> -> memref<1000000x128xf32, #tpu.memory_space<hbm>>
    tpu.wait_indirect_dma semaphore(%arg7 : memref<!tpu.dma_semaphore, #tpu.memory_space<semaphore_mem>>) src(%dma_wait3A_319 : memref<1000000x128xf32, #tpu.memory_space<hbm>>) dst(%dma_wait3A_314 : memref<400x128xf32, #tpu.memory_space<vmem>>)
    %add3A_320 = arith.constant 2400 : i32
    %add3A_321 = arith.addi %min3A_3, %add3A_320 : i32
    %dma_start3A_322 = arith.constant 0 : i32
    %dma_start3A_323 = arith.constant 0 : i32
    %dma_start3A_324 = arith.constant 0 : i32
    %dma_start3A_325 = tpu.memref_slice %arg6[%dma_start3A_322, %dma_start3A_323, %dma_start3A_324] : memref<2x400x128xf32, #tpu.memory_space<vmem>> -> memref<1x400x64xf32, #tpu.memory_space<vmem>>
    %dma_start3A_326 = tpu.memref_squeeze %dma_start3A_325 : memref<1x400x64xf32, #tpu.memory_space<vmem>> -> memref<400x64xf32, #tpu.memory_space<vmem>>
    %dma_start3A_327 = arith.constant 0 : i32
    %dma_start3A_328 = tpu.memref_slice %arg4[%add3A_321, %dma_start3A_327] : memref<100000x64xf32, #tpu.memory_space<hbm>> -> memref<400x64xf32, #tpu.memory_space<hbm>>
    %dma_start3A_329 = arith.constant 0 : i32
    %dma_start3A_330 = tpu.memref_slice %arg4[%add3A_321, %dma_start3A_329] : memref<100000x64xf32, #tpu.memory_space<hbm>> -> memref<400x64xf32, #tpu.memory_space<hbm>>
    %dma_start3A_331 = arith.constant 0 : i32
    %dma_start3A_332 = arith.constant 0 : i32
    %dma_start3A_333 = tpu.memref_slice %arg6[%dma_start3A_322, %dma_start3A_331, %dma_start3A_332] : memref<2x400x128xf32, #tpu.memory_space<vmem>> -> memref<1x400x64xf32, #tpu.memory_space<vmem>>
    %dma_start3A_334 = tpu.memref_squeeze %dma_start3A_333 : memref<1x400x64xf32, #tpu.memory_space<vmem>> -> memref<400x64xf32, #tpu.memory_space<vmem>>
    tpu.enqueue_dma source(%dma_start3A_334 : memref<400x64xf32, #tpu.memory_space<vmem>>) target(%dma_start3A_330 : memref<400x64xf32, #tpu.memory_space<hbm>>) target_semaphore(%arg9 : memref<!tpu.dma_semaphore, #tpu.memory_space<semaphore_mem>>)
    %dma_wait3A_335 = arith.constant 1 : i32
    %dma_wait3A_336 = arith.constant 0 : i32
    %dma_wait3A_337 = arith.constant 0 : i32
    %dma_wait3A_338 = tpu.memref_slice %arg6[%dma_wait3A_335, %dma_wait3A_336, %dma_wait3A_337] : memref<2x400x128xf32, #tpu.memory_space<vmem>> -> memref<1x400x128xf32, #tpu.memory_space<vmem>>
    %dma_wait3A_339 = tpu.memref_squeeze %dma_wait3A_338 : memref<1x400x128xf32, #tpu.memory_space<vmem>> -> memref<400x128xf32, #tpu.memory_space<vmem>>
    %dma_wait3A_340 = arith.constant 2728 : i32
    %dma_wait3A_341 = tpu.memref_slice %arg5[%dma_wait3A_340] : memref<3128xi32, #tpu.memory_space<vmem>> -> memref<400xi32, #tpu.memory_space<vmem>>
    %dma_wait3A_342 = arith.constant 0 : i32
    %dma_wait3A_343 = arith.constant 0 : i32
    %dma_wait3A_344 = tpu.memref_slice %arg3[%dma_wait3A_342, %dma_wait3A_343] : memref<1000000x128xf32, #tpu.memory_space<hbm>> -> memref<1000000x128xf32, #tpu.memory_space<hbm>>
    tpu.wait_indirect_dma semaphore(%arg8 : memref<!tpu.dma_semaphore, #tpu.memory_space<semaphore_mem>>) src(%dma_wait3A_344 : memref<1000000x128xf32, #tpu.memory_space<hbm>>) dst(%dma_wait3A_339 : memref<400x128xf32, #tpu.memory_space<vmem>>)
    %add3A_345 = arith.constant 2728 : i32
    %add3A_346 = arith.addi %min3A_3, %add3A_345 : i32
    %dma_start3A_347 = arith.constant 1 : i32
    %dma_start3A_348 = arith.constant 0 : i32
    %dma_start3A_349 = arith.constant 0 : i32
    %dma_start3A_350 = tpu.memref_slice %arg6[%dma_start3A_347, %dma_start3A_348, %dma_start3A_349] : memref<2x400x128xf32, #tpu.memory_space<vmem>> -> memref<1x400x64xf32, #tpu.memory_space<vmem>>
    %dma_start3A_351 = tpu.memref_squeeze %dma_start3A_350 : memref<1x400x64xf32, #tpu.memory_space<vmem>> -> memref<400x64xf32, #tpu.memory_space<vmem>>
    %dma_start3A_352 = arith.constant 0 : i32
    %dma_start3A_353 = tpu.memref_slice %arg4[%add3A_346, %dma_start3A_352] : memref<100000x64xf32, #tpu.memory_space<hbm>> -> memref<400x64xf32, #tpu.memory_space<hbm>>
    %dma_start3A_354 = arith.constant 0 : i32
    %dma_start3A_355 = tpu.memref_slice %arg4[%add3A_346, %dma_start3A_354] : memref<100000x64xf32, #tpu.memory_space<hbm>> -> memref<400x64xf32, #tpu.memory_space<hbm>>
    %dma_start3A_356 = arith.constant 0 : i32
    %dma_start3A_357 = arith.constant 0 : i32
    %dma_start3A_358 = tpu.memref_slice %arg6[%dma_start3A_347, %dma_start3A_356, %dma_start3A_357] : memref<2x400x128xf32, #tpu.memory_space<vmem>> -> memref<1x400x64xf32, #tpu.memory_space<vmem>>
    %dma_start3A_359 = tpu.memref_squeeze %dma_start3A_358 : memref<1x400x64xf32, #tpu.memory_space<vmem>> -> memref<400x64xf32, #tpu.memory_space<vmem>>
    tpu.enqueue_dma source(%dma_start3A_359 : memref<400x64xf32, #tpu.memory_space<vmem>>) target(%dma_start3A_355 : memref<400x64xf32, #tpu.memory_space<hbm>>) target_semaphore(%arg10 : memref<!tpu.dma_semaphore, #tpu.memory_space<semaphore_mem>>)
    %dma_wait3A_360 = arith.constant 0 : i32
    %dma_wait3A_361 = arith.constant 0 : i32
    %dma_wait3A_362 = arith.constant 0 : i32
    %dma_wait3A_363 = tpu.memref_slice %arg6[%dma_wait3A_360, %dma_wait3A_361, %dma_wait3A_362] : memref<2x400x128xf32, #tpu.memory_space<vmem>> -> memref<1x400x64xf32, #tpu.memory_space<vmem>>
    %dma_wait3A_364 = tpu.memref_squeeze %dma_wait3A_363 : memref<1x400x64xf32, #tpu.memory_space<vmem>> -> memref<400x64xf32, #tpu.memory_space<vmem>>
    %dma_wait3A_365 = arith.constant 0 : i32
    %dma_wait3A_366 = tpu.memref_slice %arg4[%add3A_321, %dma_wait3A_365] : memref<100000x64xf32, #tpu.memory_space<hbm>> -> memref<400x64xf32, #tpu.memory_space<hbm>>
    %dma_wait3A_367 = arith.constant 0 : i32
    %dma_wait3A_368 = tpu.memref_slice %arg4[%add3A_321, %dma_wait3A_367] : memref<100000x64xf32, #tpu.memory_space<hbm>> -> memref<400x64xf32, #tpu.memory_space<hbm>>
    %dma_wait3A_369 = arith.constant 0 : i32
    %dma_wait3A_370 = arith.constant 0 : i32
    %dma_wait3A_371 = tpu.memref_slice %arg6[%dma_wait3A_360, %dma_wait3A_369, %dma_wait3A_370] : memref<2x400x128xf32, #tpu.memory_space<vmem>> -> memref<1x400x64xf32, #tpu.memory_space<vmem>>
    %dma_wait3A_372 = tpu.memref_squeeze %dma_wait3A_371 : memref<1x400x64xf32, #tpu.memory_space<vmem>> -> memref<400x64xf32, #tpu.memory_space<vmem>>
    tpu.wait_dma2 semaphore(%arg9 : memref<!tpu.dma_semaphore, #tpu.memory_space<semaphore_mem>>) src(%dma_wait3A_372 : memref<400x64xf32, #tpu.memory_space<vmem>>) dst(%dma_wait3A_368 : memref<400x64xf32, #tpu.memory_space<hbm>>)
    %dma_wait3A_373 = arith.constant 1 : i32
    %dma_wait3A_374 = arith.constant 0 : i32
    %dma_wait3A_375 = arith.constant 0 : i32
    %dma_wait3A_376 = tpu.memref_slice %arg6[%dma_wait3A_373, %dma_wait3A_374, %dma_wait3A_375] : memref<2x400x128xf32, #tpu.memory_space<vmem>> -> memref<1x400x64xf32, #tpu.memory_space<vmem>>
    %dma_wait3A_377 = tpu.memref_squeeze %dma_wait3A_376 : memref<1x400x64xf32, #tpu.memory_space<vmem>> -> memref<400x64xf32, #tpu.memory_space<vmem>>
    %dma_wait3A_378 = arith.constant 0 : i32
    %dma_wait3A_379 = tpu.memref_slice %arg4[%add3A_346, %dma_wait3A_378] : memref<100000x64xf32, #tpu.memory_space<hbm>> -> memref<400x64xf32, #tpu.memory_space<hbm>>
    %dma_wait3A_380 = arith.constant 0 : i32
    %dma_wait3A_381 = tpu.memref_slice %arg4[%add3A_346, %dma_wait3A_380] : memref<100000x64xf32, #tpu.memory_space<hbm>> -> memref<400x64xf32, #tpu.memory_space<hbm>>
    %dma_wait3A_382 = arith.constant 0 : i32
    %dma_wait3A_383 = arith.constant 0 : i32
    %dma_wait3A_384 = tpu.memref_slice %arg6[%dma_wait3A_373, %dma_wait3A_382, %dma_wait3A_383] : memref<2x400x128xf32, #tpu.memory_space<vmem>> -> memref<1x400x64xf32, #tpu.memory_space<vmem>>
    %dma_wait3A_385 = tpu.memref_squeeze %dma_wait3A_384 : memref<1x400x64xf32, #tpu.memory_space<vmem>> -> memref<400x64xf32, #tpu.memory_space<vmem>>
    tpu.wait_dma2 semaphore(%arg10 : memref<!tpu.dma_semaphore, #tpu.memory_space<semaphore_mem>>) src(%dma_wait3A_385 : memref<400x64xf32, #tpu.memory_space<vmem>>) dst(%dma_wait3A_381 : memref<400x64xf32, #tpu.memory_space<hbm>>)
    return
  }
}

</mosaic_0001>

<sc_bundles>
// kernel: kernel.3.cloned.1.call-start
scs
__scs_entry_jumppad:
0x0: {  	(pc) =	sbr.rel $0x88, $3  }
0x1: {  	(tag) =	ssettag $0x0;
	lr =	simm.s32 $0x1  }
0x2: {  	[smem:$0x3F9F] =	sst lr;
	_ =	strace $0xD0000000  }
0x3: {  	_ = 	snop  }
0x4: {  	_ = 	snop  }
0x5: {  	_ = 	snop  }
0x6: {  	_ = 	snop  }
0x7: {  	_ = 	snop  }
__scs_overlays_trampoline_lowered:
0x8: {  	[smem:$0x3FAE] =	sst s0  }
0x9: {  	[smem:$0x3FAF] =	sst s1  }
0xa: {  	[smem:$0x3FB0] =	sst s2  }
0xb: {  	[smem:$0x3FB1] =	sst s3  }
0xc: {  	[smem:$0x3FB2] =	sst s4  }
0xd: {  	[smem:$0x3FB3] =	sst s5  }
0xe: {  	[smem:$0x3FB4] =	sst s6  }
0xf: {  	[smem:$0x3FB5] =	sst s7  }
0x10: {  	[smem:$0x3FB6] =	sst s8  }
0x11: {  	[smem:$0x3FB7] =	sst s9;
	s0 =	simm.s32 @!p0 $0x0  }
0x12: {  	s1 =	sld [smem:$0x3F9D];
	s0 =	simm.s32 @p0 $0x1  }
0x13: {  	[smem:$0x3FB8] =	sst s0;
	s0 =	simm.s32 @!p1 $0x0  }
0x14: {  	s2 =	sld [smem:$0x3F9C];
	s0 =	simm.s32 @p1 $0x1  }
0x15: {  	[smem:$0x3FB9] =	sst s0;
	s0 =	simm.s32 @!p2 $0x0  }
0x16: {  	s3 =	sld [smem:$0x3FDB];
	s0 =	simm.s32 @p2 $0x1  }
0x17: {  	s4 =	simm.s32 $0x1BF5;
	[smem:$0x3FBB] =	sst s0  }
0x18: {  	s0 =	sld [smem:$0x3F9E];
	_ =	swait.ge [sflag:s4], $0x0  }
0x19: {  	s7 =	sld [smem:$0x3F9F]  }
0x1a: {  	s8 =	sadd.s32 $0xFFFFE003, lr  }
0x1b: {  	s9 =	sadd.s32 $0xFFFFFEF7, lr;
	s5 =	simm.s32 $0xFFFFFFFF;
	p2 =	slt.u32 s8, $0xFFFFF086  }
0x1c: {  	p1 =	slt.u32 s9, $0xF7A;
	s5 =	simm.s32 @!p2 $0x0  }
0x1d: {  	s5 =	simm.s32 @p1 $0x1;
	p0 =	seq.s32 s7, s2  }
0x1e: {  	s7 =	smul.u32 @!p0 $0xF7A, s2;
	p2 =	seq.s32 @!p0 s5, $0x0  }
0x1f: {  	s9 =	smul.u32 $0xF7A, s1;
	s8 =	simm.s32 @!p0 $0x1BF5;
	p2 =	por !p2, p0  }
0x20: {  	[sflag:s8] =	ssyncset.s32 @!p0 $0xFFFFF086;
	s6 =	sadd.s32 @!p0 s3, s7;
	s7 =	simm.s32 @!p0 $0x108  }
0x21: {  	s3 =	sadd.s32 s3, s9;
	s6 =	sadd.s32 @!p0 $0x88, s6;
	s7 =	simm.s32 @p2 $0x1082  }
0x22: {  	[simem:s7], [sflag:s8] =	dma.local @!p0 [hbm:s6], $0xF7A  }
0x23: {  	s9 =	sor.u32 $0xD0000000, s2;
	s6 =	simm.s32 $0x108;
	_ =	swait.ge @!p0 [sflag:s8], $0x0  }
0x24: {  	s3 =	sadd.s32 $0x88, s3;
	s6 =	simm.s32 @!p1 $0x1082;
	[sflag:s4] =	ssyncset.s32 $0xFFFFF086  }
0x25: {  	[simem:s6], [sflag:s4] =	dma.local [hbm:s3], $0xF7A  }
0x26: {  	[smem:$0x3F9F] =	sst s1;
	(tag) =	ssettag s2;
	_ =	strace s9  }
0x27: {  	s1 =	sld [smem:$0x3FAF]  }
0x28: {  	s2 =	sld [smem:$0x3FB0]  }
0x29: {  	s4 =	sld [smem:$0x3FB2]  }
0x2a: {  	p0 =	seq.s32 s5, $0x0;
	s5 =	sld [smem:$0x3FB3]  }
0x2b: {  	s6 =	sld [smem:$0x3FB4]  }
0x2c: {  	s7 =	sld [smem:$0x3FB5]  }
0x2d: {  	s3 =	simm.s32 $0x108;
	s8 =	sld [smem:$0x3FB6]  }
0x2e: {  	s3 =	simm.s32 @!p0 $0x1082;
	s9 =	sld [smem:$0x3FB7]  }
0x2f: {  	lr =	sadd.s32 s0, s3;
	s0 =	sld [smem:$0x3FAE]  }
0x30: {  	s3 =	sld [smem:$0x3FB1]  }
0x31: {  	[smem:$0x3FBA] =	sst s10  }
0x32: {  	s10 =	sld [smem:$0x3FB8];
	_ =	sdelay $0x3  }
0x33: {  	p0 =	seq.s32 s10, $0x1;
	s10 =	sld [smem:$0x3FBA];
	_ =	sdelay $0x3  }
0x34: {  	[smem:$0x3FBA] =	sst s10  }
0x35: {  	s10 =	sld [smem:$0x3FB9];
	_ =	sdelay $0x3  }
0x36: {  	p1 =	seq.s32 s10, $0x1;
	s10 =	sld [smem:$0x3FBA];
	_ =	sdelay $0x3  }
0x37: {  	[smem:$0x3FBA] =	sst s10  }
0x38: {  	s10 =	sld [smem:$0x3FBB]  }
0x39: {  	_ = 	snop;
	(pc) =	sbr.ind lr, $3  }
0x3a: {  	_ = 	snop  }
0x3b: {  	_ = 	snop  }
0x3c: {  	p2 =	seq.s32 s10, $0x1;
	s10 =	sld [smem:$0x3FBA]  }
0x3d: {  	_ =	shalt  }
0x3e: {  	_ =	shalt  }
0x3f: {  	_ =	shalt  }
0x40: {  	_ =	shalt  }
0x41: {  	_ =	shalt  }
0x42: {  	_ =	shalt  }
0x43: {  	_ =	shalt  }
0x44: {  	_ =	shalt  }
0x45: {  	_ =	shalt  }
0x46: {  	_ =	shalt  }
0x47: {  	_ =	shalt  }
0x48: {  	_ =	shalt  }
0x49: {  	_ =	shalt  }
0x4a: {  	_ =	shalt  }
0x4b: {  	_ =	shalt  }
0x4c: {  	_ =	shalt  }
0x4d: {  	_ =	shalt  }
0x4e: {  	_ =	shalt  }
0x4f: {  	_ =	shalt  }
0x50: {  	_ =	shalt  }
0x51: {  	_ =	shalt  }
0x52: {  	_ =	shalt  }
0x53: {  	_ =	shalt  }
0x54: {  	_ =	shalt  }
0x55: {  	_ =	shalt  }
0x56: {  	_ =	shalt  }
0x57: {  	_ =	shalt  }
0x58: {  	_ =	shalt  }
0x59: {  	_ =	shalt  }
0x5a: {  	_ =	shalt  }
0x5b: {  	_ =	shalt  }
0x5c: {  	_ =	shalt  }
0x5d: {  	_ =	shalt  }
0x5e: {  	_ =	shalt  }
0x5f: {  	_ =	shalt  }
0x60: {  	_ =	shalt  }
0x61: {  	_ =	shalt  }
0x62: {  	_ =	shalt  }
0x63: {  	_ =	shalt  }
0x64: {  	_ =	shalt  }
0x65: {  	_ =	shalt  }
0x66: {  	_ =	shalt  }
0x67: {  	_ =	shalt  }
0x68: {  	_ =	shalt  }
0x69: {  	_ =	shalt  }
0x6a: {  	_ =	shalt  }
0x6b: {  	_ =	shalt  }
0x6c: {  	_ =	shalt  }
0x6d: {  	_ =	shalt  }
0x6e: {  	_ =	shalt  }
0x6f: {  	_ =	shalt  }
0x70: {  	_ =	shalt  }
0x71: {  	_ =	shalt  }
0x72: {  	_ =	shalt  }
0x73: {  	_ =	shalt  }
0x74: {  	_ =	shalt  }
0x75: {  	_ =	shalt  }
0x76: {  	_ =	shalt  }
0x77: {  	_ =	shalt  }
0x78: {  	_ =	shalt  }
0x79: {  	_ =	shalt  }
0x7a: {  	_ =	shalt  }
0x7b: {  	_ =	shalt  }
0x7c: {  	_ =	shalt  }
0x7d: {  	_ =	shalt  }
0x7e: {  	_ =	shalt  }
0x7f: {  	_ =	shalt  }
0x80: {  	_ =	shalt  }
0x81: {  	_ =	shalt  }
0x82: {  	_ =	shalt  }
0x83: {  	_ =	shalt  }
0x84: {  	_ =	shalt  }
0x85: {  	_ =	shalt  }
0x86: {  	_ =	shalt  }
0x87: {  	_ =	shalt  }
.Lfunc_end0:
.L_simem_size_0:
called_computation_lowered:
.L_overlay_start_0:
0x88: {  	s2 =	sld [smem:$0x3FD9]  }
0x89: {  	s3 =	sld [smem:$0x3FFE];
	_ =	sdelay $0x1  }
0x8a: {  	s1 =	srdreg.scid  }
0x8b: {  	s0 =	sand.u32 $0x1, s1  }
0x8c: {  	s17 =	sshll.u32 s0, $0xA;
	s2 =	sadd.s32 s3, s2  }
0x8d: {  	s2 =	sadd.s32 s2, s17  }
0x8e: {  	[smem:$0x3FC6] =	sst s2  }
0x8f: {  	_ = 	snop  }
0x90: {  	s2 =	sld [smem:$0x3FC9]  }
0x91: {  	s18 =	sld [smem:$0x3FD0];
	(tm) =	ssettm $0x1  }
0x92: {  	s4 =	sld [smem:$0x3FFB];
	_ =	sdelay $0x3  }
0x93: {  	_ =	strace s4  }
0x94: {  	s4 =	sld [smem:$0x3FFC];
	_ =	sdelay $0x3  }
0x95: {  	_ =	strace s4  }
0x96: {  	s4 =	sld [smem:$0x3FFD];
	_ =	sdelay $0x3  }
0x97: {  	_ =	strace s4  }
0x98: {  	_ =	strace $0x8FFFFFFF  }
0x99: {  	s19 =	sld [smem:$0x3FDB];
	_ =	sdelay $0x1  }
0x9a: {  	s5 =	simm.s32 $_scs_section_size  }
0x9b: {  	s6 =	simm.s32 $_size__tile_overlayer_lowered;
	s7 =	simm.s32 $_tile_overlayer_lowered  }
0x9c: {  	s22 =	simm.s32 $0x1BFF;
	s21 =	sshll.u32 s7, $0x1;
	s4 =	sadd.s32 s5, s19  }
0x9d: {  	s8 =	simm.s32 $0x0;
	s20 =	sshll.u32 s6, $0x1;
	s6 =	sadd.s32 s21, s4  }
0x9e: {  	[timem:s8], [sflag:s22] =	dma.local [hbm:s6], s20  }
0x9f: {  	_ =	swait.ge [sflag:s22], s20  }
0xa0: {  	s5 =	ssub.s32 $0x0, s20;
	[sflag:s22] =	ssyncset.done $0x0  }
0xa1: {  	[sflag:s22] =	ssyncadd.s32 s5;
	_ =	sdelay $0x1  }
0xa2: {  	s23 =	simm.s32 $0x1B8B  }
0xa3: {  	_ =	swait.ge [sflag:s23], $0x1  }
0xa4: {  	[sflag:s23] =	ssyncset.done $0x0  }
0xa5: {  	s25 =	simm.s32 $0x1B8E;
	s24 =	sld [smem:$0x3FFE];
	[sflag:s23] =	ssyncadd.s32 $0xFFFFFFFF  }
0xa6: {  	s26 =	simm.s32 $execute0_lowered;
	[smem:$0x3FD2] =	sst s25  }
0xa7: {  	s6 =	sshll.u32 s26, $0x1;
	_ =	strace $0x80000046;
	[dreg:$0x1] =	wrdreg $0xFFFFFFFF  }
0xa8: {  	s28 =	simm.s32 $_size_execute0_lowered;
	s4 =	sadd.s32 s4, s6;
	[dreg:$0x0] =	wrdreg $0x0  }
0xa9: {  	s6 =	sshll.u32 s28, $0x1;
	[dreg:$0x2] =	wrdreg s4  }
0xaa: {  	[dreg:$0x3] =	wrdreg s6  }
0xab: {  	[dreg:$0x4] =	wrdreg $0xC0  }
0xac: {  	_ =	task [dreg:s8], $0x5FFFF  }
0xad: {  	[dreg:$0x1] =	wrdreg $0xFFFFFFFF  }
0xae: {  	[dreg:$0x0] =	wrdreg $0x60  }
0xaf: {  	[dreg:$0x2] =	wrdreg s2  }
0xb0: {  	[dreg:$0x3] =	wrdreg s24  }
0xb1: {  	[dreg:$0x4] =	wrdreg s18  }
0xb2: {  	[dreg:$0x5] =	wrdreg $0x9  }
0xb3: {  	_ =	task.clear_ibuf [dreg:s8], $0x6FFFF;
	_ =	strace $0x90000046  }
0xb4: {  	s29 =	simm.s32 $0x9;
	_ =	strace $0x80000048  }
0xb5: {  	_ =	swait.ge [sflag:s29], $0x1  }
0xb6: {  	[sflag:s29] =	ssyncadd.s32 $0xFFFFFFFF  }
0xb7: {  	_ =	strace $0x90000048  }
0xb8: {  	_ =	sfence  }
0xb9: {  	s30 =	sld [smem:$0x0];
	_ =	sdelay $0x2  }
0xba: {  	s31 =	sshll.u32 s1, $0xD;
	s1 =	sshrl.u32 s1, $0x2  }
0xbb: {  	s3 =	sand.u32 $0x4000, s31;
	s1 =	sadd.s32 s1, s30  }
0xbc: {  	s0 =	sor.u32 s3, s0;
	s1 =	sshll.u32 s1, $0x11  }
0xbd: {  	s0 =	sor.u32 s1, s0  }
0xbe: {  	s0 =	sadd.s32 $0x8F2B, s0  }
0xbf: {  	[sflag:s0] =	ssyncadd.remote.s32 $0x1  }
0xc0: {  	_ =	sfence.sel $0xFFFF  }
0xc1: {  	[dreg:$0x0] =	wrdreg $0xFFFFFFFF;
	(pc) =	sbr.abs _section_cstart, $3  }
0xc2: {  	[dreg:$0x1] =	wrdreg $0xFFFFFFFF  }
0xc3: {  	_ =	task.clear_ibuf [dreg:s8], $0x2FFFF;
	_ =	strace $0x9FFFFFFF  }
0xc4: {  	(tm) =	ssettm $0x7FFFFFFF  }
0xc5: {  	_ =	shalt  }
tec
execute0_lowered:
.L_overlay_start_1:
0x0: {  	(tag) =	ssettag $0x1  }
0x1: {  	s0 =	rddreg [dreg:$0x0]  }
0x2: {  	s1 =	srdreg.scid;
	s3 =	rddreg [dreg:$0x1]  }
0x3: {  	s2 =	stileid.u32;
	s4 =	rddreg [dreg:$0x2]  }
0x4: {  	s14 =	simm.s32 $0x5;
	s15 =	simm.s32 $0x190;
	s16 =	simm.s32 $0xD438  }
0x5: {  	s17 =	simm.s32 $0x1;
	s18 =	simm.s32 $0x3;
	s19 =	simm.s32 $0x320  }
0x6: {  	s20 =	simm.s32 $0xC38;
	s21 =	simm.s32 $0x2;
	s22 =	simm.s32 $0x4  }
0x7: {  	s23 =	simm.s32 $0x4B0;
	s1 =	sand.u32 $0x1, s1;
	s2 =	sshll.u32 s2, $0x1  }
0x8: {  	s24 =	simm.s32 $0x640;
	s25 =	simm.s32 $0x7D0;
	s5 =	sor.u32 s1, s2  }
0x9: {  	s26 =	simm.s32 $0x960;
	s28 =	simm.s32 $0xAA8;
	s5 =	smul.u32 $0xC38, s5  }
0xa: {  	s29 =	simm.s32 $0x0;
	s3 =	sadd.s32 $0xF42800, s3;
	s2 =	simm.s32 $0x0  }
0xb: {  	s1 =	ssub.s32 $0x2, s1;
	[smem:$0x7FF] =	sst s2;
	s5 =	smin.u32 s5, $0x17A68  }
0xc: {  	s6 =	sshrl.u32 s1, $0x1;
	_ =	strace $0x80000047;
	s7 =	sshll.u32 s5, $0x3  }
0xd: {  	s1 =	ssub.s32 s1, s6;
	s5 =	sshrl.u32 s5, $0x3;
	s4 =	sadd.s32 s4, s7  }
0xe: {  	s13 =	smax.u32 s1, $0x1;
	s5 =	sadd.s32 s0, s5;
	s6 =	sadd.s32 $0xC80, s4  }
0xf: {  	s7 =	sadd.s32 $0x1900, s4;
	s8 =	sadd.s32 $0x2580, s4;
	s9 =	sadd.s32 $0x3200, s4  }
0x10: {  	s10 =	sadd.s32 $0x3E80, s4;
	s11 =	sadd.s32 $0x4B00, s4;
	s12 =	sadd.s32 $0x5540, s4  }
.LBB2_1:
0x11: {  	[tilespmem:s2], [sflag:$0x5] =	stream.linear.gather [hbm4b:s5+s2], $0xC38, $0x38;
	[tilespmem:$0x19C38] =	vst v63  }
0x12: {  	_ =	swait.ge [sflag:s14], $0xC38  }
0x13: {  	[sflag:s14] =	ssyncset.done $0x0  }
0x14: {  	[sflag:s14] =	ssyncadd.s32 $0xFFFFF3C8  }
0x15: {  	[tilespmem:s20], [sflag:$0x1] =	stream.indirect.gather [hbm4b:s3+s15], $0x80, s2, s15, $0xb8;
	[tilespmem:$0x19C38] =	vst v63  }
0x16: {  	_ = 	snop  }
0x17: {  	[tilespmem:s16], [sflag:$0x2] =	stream.indirect.gather [hbm4b:s3+s15], $0x80, s15, s15, $0xb8;
	[tilespmem:$0x19C38] =	vst v63  }
0x18: {  	_ =	swait.ge [sflag:s17], $0xC800  }
0x19: {  	s30 =	simm.s32 $0x8;
	s0 =	sadd.s32 $0x0, s4;
	[sflag:s17] =	ssyncset.done $0x0  }
0x1a: {  	s31 =	simm.s32 $0xCB8;
	s1 =	simm.s32 $0xC38;
	[sflag:s17] =	ssyncadd.s32 $0xFFFF3800  }
.LBB2_2:
0x1b: {  	[hbm4b:s0+s2] =	stream.linear.scatter [tilespmem:s1], [sflag:$0x3], $0x40, $0x38;
	[tilespmem:$0x19C38] =	vst v63  }
0x1c: {  	s0 =	smov.u32 s30;
	s1 =	smov.u32 s31;
	p0 =	sne.s32 s30, $0xC78  }
.Ltmp0:
0x1d: {  	s30 =	sadd.s32 $0x8, s30;
	(pc) =	sbr.rel @p0 .LBB2_2-.Ltmp0, $2  }
0x1e: {  	_ =	sdelay $0x2  }
0x1f: {  	s31 =	sadd.s32 $0x80, s31;
	s0 =	sadd.s32 s0, s4  }
0x20: {  	[hbm4b:s0+s2] =	stream.linear.scatter [tilespmem:s1], [sflag:$0x3], $0x40, $0x38;
	[tilespmem:$0x19C38] =	vst v63  }
0x21: {  	_ =	swait.ge [sflag:s18], $0x6400  }
0x22: {  	[sflag:s18] =	ssyncset.done $0x0  }
0x23: {  	[sflag:s18] =	ssyncadd.s32 $0xFFFF9C00  }
0x24: {  	[tilespmem:s20], [sflag:$0x1] =	stream.indirect.gather [hbm4b:s3+s15], $0x80, s19, s15, $0xb8;
	[tilespmem:$0x19C38] =	vst v63  }
0x25: {  	_ =	swait.ge [sflag:s21], $0xC800  }
0x26: {  	s30 =	simm.s32 $0xD438;
	s31 =	simm.s32 $0x8;
	[sflag:s21] =	ssyncset.done $0x0  }
0x27: {  	s0 =	sadd.s32 $0x0, s6;
	s1 =	simm.s32 $0xD4B8;
	[sflag:s21] =	ssyncadd.s32 $0xFFFF3800  }
.LBB2_4:
0x28: {  	[hbm4b:s0+s2] =	stream.linear.scatter [tilespmem:s30], [sflag:$0x4], $0x40, $0x38;
	[tilespmem:$0x19C38] =	vst v63  }
0x29: {  	s0 =	smov.u32 s31;
	s30 =	smov.u32 s1;
	p0 =	sne.s32 s31, $0xC78  }
.Ltmp1:
0x2a: {  	s31 =	sadd.s32 $0x8, s31;
	(pc) =	sbr.rel @p0 .LBB2_4-.Ltmp1, $2  }
0x2b: {  	_ =	sdelay $0x2  }
0x2c: {  	s1 =	sadd.s32 $0x80, s1;
	s0 =	sadd.s32 s0, s6  }
0x2d: {  	[hbm4b:s0+s2] =	stream.linear.scatter [tilespmem:s30], [sflag:$0x4], $0x40, $0x38;
	[tilespmem:$0x19C38] =	vst v63  }
0x2e: {  	_ =	swait.ge [sflag:s22], $0x6400  }
0x2f: {  	[sflag:s22] =	ssyncset.done $0x0  }
0x30: {  	[sflag:s22] =	ssyncadd.s32 $0xFFFF9C00  }
0x31: {  	[tilespmem:s16], [sflag:$0x2] =	stream.indirect.gather [hbm4b:s3+s15], $0x80, s23, s15, $0xb8;
	[tilespmem:$0x19C38] =	vst v63  }
0x32: {  	_ =	swait.ge [sflag:s17], $0xC800  }
0x33: {  	s30 =	simm.s32 $0xC38;
	s31 =	simm.s32 $0x8;
	[sflag:s17] =	ssyncset.done $0x0  }
0x34: {  	s0 =	sadd.s32 $0x0, s7;
	s1 =	simm.s32 $0xCB8;
	[sflag:s17] =	ssyncadd.s32 $0xFFFF3800  }
.LBB2_6:
0x35: {  	[hbm4b:s0+s2] =	stream.linear.scatter [tilespmem:s30], [sflag:$0x3], $0x40, $0x38;
	[tilespmem:$0x19C38] =	vst v63  }
0x36: {  	s0 =	smov.u32 s31;
	s30 =	smov.u32 s1;
	p0 =	sne.s32 s31, $0xC78  }
.Ltmp2:
0x37: {  	s31 =	sadd.s32 $0x8, s31;
	(pc) =	sbr.rel @p0 .LBB2_6-.Ltmp2, $2  }
0x38: {  	_ =	sdelay $0x2  }
0x39: {  	s1 =	sadd.s32 $0x80, s1;
	s0 =	sadd.s32 s0, s7  }
0x3a: {  	[hbm4b:s0+s2] =	stream.linear.scatter [tilespmem:s30], [sflag:$0x3], $0x40, $0x38;
	[tilespmem:$0x19C38] =	vst v63  }
0x3b: {  	_ =	swait.ge [sflag:s18], $0x6400  }
0x3c: {  	[sflag:s18] =	ssyncset.done $0x0  }
0x3d: {  	[sflag:s18] =	ssyncadd.s32 $0xFFFF9C00  }
0x3e: {  	[tilespmem:s20], [sflag:$0x1] =	stream.indirect.gather [hbm4b:s3+s15], $0x80, s24, s15, $0xb8;
	[tilespmem:$0x19C38] =	vst v63  }
0x3f: {  	_ =	swait.ge [sflag:s21], $0xC800  }
0x40: {  	s30 =	simm.s32 $0xD438;
	s31 =	simm.s32 $0x8;
	[sflag:s21] =	ssyncset.done $0x0  }
0x41: {  	s0 =	sadd.s32 $0x0, s8;
	s1 =	simm.s32 $0xD4B8;
	[sflag:s21] =	ssyncadd.s32 $0xFFFF3800  }
.LBB2_8:
0x42: {  	[hbm4b:s0+s2] =	stream.linear.scatter [tilespmem:s30], [sflag:$0x4], $0x40, $0x38;
	[tilespmem:$0x19C38] =	vst v63  }
0x43: {  	s0 =	smov.u32 s31;
	s30 =	smov.u32 s1;
	p0 =	sne.s32 s31, $0xC78  }
.Ltmp3:
0x44: {  	s31 =	sadd.s32 $0x8, s31;
	(pc) =	sbr.rel @p0 .LBB2_8-.Ltmp3, $2  }
0x45: {  	_ =	sdelay $0x2  }
0x46: {  	s1 =	sadd.s32 $0x80, s1;
	s0 =	sadd.s32 s0, s8  }
0x47: {  	[hbm4b:s0+s2] =	stream.linear.scatter [tilespmem:s30], [sflag:$0x4], $0x40, $0x38;
	[tilespmem:$0x19C38] =	vst v63  }
0x48: {  	_ =	swait.ge [sflag:s22], $0x6400  }
0x49: {  	[sflag:s22] =	ssyncset.done $0x0  }
0x4a: {  	[sflag:s22] =	ssyncadd.s32 $0xFFFF9C00  }
0x4b: {  	[tilespmem:s16], [sflag:$0x2] =	stream.indirect.gather [hbm4b:s3+s15], $0x80, s25, s15, $0xb8;
	[tilespmem:$0x19C38] =	vst v63  }
0x4c: {  	_ =	swait.ge [sflag:s17], $0xC800  }
0x4d: {  	s30 =	simm.s32 $0xC38;
	s31 =	simm.s32 $0x8;
	[sflag:s17] =	ssyncset.done $0x0  }
0x4e: {  	s0 =	sadd.s32 $0x0, s9;
	s1 =	simm.s32 $0xCB8;
	[sflag:s17] =	ssyncadd.s32 $0xFFFF3800  }
.LBB2_10:
0x4f: {  	[hbm4b:s0+s2] =	stream.linear.scatter [tilespmem:s30], [sflag:$0x3], $0x40, $0x38;
	[tilespmem:$0x19C38] =	vst v63  }
0x50: {  	s0 =	smov.u32 s31;
	s30 =	smov.u32 s1;
	p0 =	sne.s32 s31, $0xC78  }
.Ltmp4:
0x51: {  	s31 =	sadd.s32 $0x8, s31;
	(pc) =	sbr.rel @p0 .LBB2_10-.Ltmp4, $2  }
0x52: {  	_ =	sdelay $0x2  }
0x53: {  	s1 =	sadd.s32 $0x80, s1;
	s0 =	sadd.s32 s0, s9  }
0x54: {  	[hbm4b:s0+s2] =	stream.linear.scatter [tilespmem:s30], [sflag:$0x3], $0x40, $0x38;
	[tilespmem:$0x19C38] =	vst v63  }
0x55: {  	_ =	swait.ge [sflag:s18], $0x6400  }
0x56: {  	[sflag:s18] =	ssyncset.done $0x0  }
0x57: {  	[sflag:s18] =	ssyncadd.s32 $0xFFFF9C00  }
0x58: {  	[tilespmem:s20], [sflag:$0x1] =	stream.indirect.gather [hbm4b:s3+s15], $0x80, s26, s15, $0xb8;
	[tilespmem:$0x19C38] =	vst v63  }
0x59: {  	_ =	swait.ge [sflag:s21], $0xC800  }
0x5a: {  	s30 =	simm.s32 $0xD438;
	s31 =	simm.s32 $0x8;
	[sflag:s21] =	ssyncset.done $0x0  }
0x5b: {  	s0 =	sadd.s32 $0x0, s10;
	s1 =	simm.s32 $0xD4B8;
	[sflag:s21] =	ssyncadd.s32 $0xFFFF3800  }
.LBB2_12:
0x5c: {  	[hbm4b:s0+s2] =	stream.linear.scatter [tilespmem:s30], [sflag:$0x4], $0x40, $0x38;
	[tilespmem:$0x19C38] =	vst v63  }
0x5d: {  	s0 =	smov.u32 s31;
	s30 =	smov.u32 s1;
	p0 =	sne.s32 s31, $0xC78  }
.Ltmp5:
0x5e: {  	s31 =	sadd.s32 $0x8, s31;
	(pc) =	sbr.rel @p0 .LBB2_12-.Ltmp5, $2  }
0x5f: {  	_ =	sdelay $0x2  }
0x60: {  	s1 =	sadd.s32 $0x80, s1;
	s0 =	sadd.s32 s0, s10  }
0x61: {  	[hbm4b:s0+s2] =	stream.linear.scatter [tilespmem:s30], [sflag:$0x4], $0x40, $0x38;
	[tilespmem:$0x19C38] =	vst v63  }
0x62: {  	_ =	swait.ge [sflag:s22], $0x6400  }
0x63: {  	[sflag:s22] =	ssyncset.done $0x0  }
0x64: {  	[sflag:s22] =	ssyncadd.s32 $0xFFFF9C00  }
0x65: {  	[tilespmem:s16], [sflag:$0x2] =	stream.indirect.gather [hbm4b:s3+s15], $0x80, s28, s15, $0xb8;
	[tilespmem:$0x19C38] =	vst v63  }
0x66: {  	_ =	swait.ge [sflag:s17], $0xC800  }
0x67: {  	s30 =	simm.s32 $0xC38;
	s31 =	simm.s32 $0x8;
	[sflag:s17] =	ssyncset.done $0x0  }
0x68: {  	s0 =	sadd.s32 $0x0, s11;
	s1 =	simm.s32 $0xCB8;
	[sflag:s17] =	ssyncadd.s32 $0xFFFF3800  }
.LBB2_14:
0x69: {  	[hbm4b:s0+s2] =	stream.linear.scatter [tilespmem:s30], [sflag:$0x3], $0x40, $0x38;
	[tilespmem:$0x19C38] =	vst v63  }
0x6a: {  	s0 =	smov.u32 s31;
	s30 =	smov.u32 s1;
	p0 =	sne.s32 s31, $0xC78  }
.Ltmp6:
0x6b: {  	s31 =	sadd.s32 $0x8, s31;
	(pc) =	sbr.rel @p0 .LBB2_14-.Ltmp6, $2  }
0x6c: {  	_ =	sdelay $0x2  }
0x6d: {  	s1 =	sadd.s32 $0x80, s1;
	s0 =	sadd.s32 s0, s11  }
0x6e: {  	[hbm4b:s0+s2] =	stream.linear.scatter [tilespmem:s30], [sflag:$0x3], $0x40, $0x38;
	[tilespmem:$0x19C38] =	vst v63  }
0x6f: {  	_ =	swait.ge [sflag:s21], $0xC800  }
0x70: {  	s30 =	simm.s32 $0xD438;
	s31 =	simm.s32 $0x8;
	[sflag:s21] =	ssyncset.done $0x0  }
0x71: {  	s0 =	sadd.s32 $0x0, s12;
	s1 =	simm.s32 $0xD4B8;
	[sflag:s21] =	ssyncadd.s32 $0xFFFF3800  }
.LBB2_16:
0x72: {  	[hbm4b:s0+s2] =	stream.linear.scatter [tilespmem:s30], [sflag:$0x4], $0x40, $0x38;
	[tilespmem:$0x19C38] =	vst v63  }
0x73: {  	s0 =	smov.u32 s31;
	s30 =	smov.u32 s1;
	p0 =	sne.s32 s31, $0xC78  }
.Ltmp7:
0x74: {  	s31 =	sadd.s32 $0x8, s31;
	(pc) =	sbr.rel @p0 .LBB2_16-.Ltmp7, $2  }
0x75: {  	_ =	sdelay $0x2  }
0x76: {  	s1 =	sadd.s32 $0x80, s1;
	s0 =	sadd.s32 s0, s12  }
0x77: {  	[hbm4b:s0+s2] =	stream.linear.scatter [tilespmem:s30], [sflag:$0x4], $0x40, $0x38;
	[tilespmem:$0x19C38] =	vst v63  }
0x78: {  	s29 =	sadd.s32 $0x1, s29  }
0x79: {  	_ =	swait.ge [sflag:s18], $0x6400;
	p0 =	sne.s32 s29, s13  }
.Ltmp8:
0x7a: {  	[sflag:s18] =	ssyncset.done $0x0;
	(pc) =	sbr.rel @p0 .LBB2_1-.Ltmp8, $4  }
0x7b: {  	[sflag:s18] =	ssyncadd.s32 $0xFFFF9C00  }
0x7c: {  	_ =	swait.ge [sflag:s22], $0x6400  }
0x7d: {  	[sflag:s22] =	ssyncset.done $0x0  }
0x7e: {  	[sflag:s22] =	ssyncadd.s32 $0xFFFF9C00  }
0x7f: {  	_ =	sfence.sel $0x180000  }
0x80: {  	[bflag:$0x0] =	sbarrier.arrive $0xFFFF  }
0x81: {  	_ =	strace $0x90000047  }
0x82: {  	s0 =	stileid.u32;
	[bflag:$0x2] =	sbarrier.arrive $0xFFFF  }
0x83: {  	p0 =	sne.s32 s0, $0x0;
	s0 =	rddreg [dreg:$0x3]  }
0x84: {  	s0 =	sadd.s32 @!p0 $0x100000, s0  }
0x85: {  	[sflag:s0] =	ssyncadd.tile.s32 @!p0 $0x1;
	_ =	shalt  }
.Lfunc_end2:
_tile_overlayer_lowered:
.L_overlay_start_2:
0x86: {  	(tag) =	ssettag $0x2  }
0x87: {  	s0 =	rddreg [dreg:$0x0];
	s2 =	stileid.u32  }
0x88: {  	s1 =	rddreg [dreg:$0x1];
	p0 =	sne.s32 s2, $0x0  }
0x89: {  	s3 =	rddreg [dreg:$0x2];
	[bflag:$0x3] =	sbarrier.arrive $0xFFFF;
	s2 =	simm.s32 @!p0 $0x1C05  }
0x8a: {  	[timem:s3], [sflag:s2] =	dma.local @!p0 [hbm:s0], s1  }
0x8b: {  	s0 =	simm.s32 @!p0 $0x5  }
0x8c: {  	_ =	swait.ge @!p0 [sflag:s0], s1  }
0x8d: {  	s1 =	ssub.s32 @!p0 $0x0, s1;
	[sflag:s0] =	ssyncset.done @!p0 $0x0  }
0x8e: {  	[sflag:s0] =	ssyncadd.s32 @!p0 s1  }
0x8f: {  	[bflag:$0x3] =	sbarrier.arrive $0xFFFF  }
0x90: {  	_ =	shalt  }

</sc_bundles>
